<compile_context>
chip_gen: v7x
topology: tpu7x:2x2x1
jax: 0.10.2.dev20260603
libtpu: 0.0.44.dev20260713+nightly
codegen_flags: <defaults>
</compile_context>

<pallas_src>
import jax
import jax.numpy as jnp
from jax import lax
from jax.experimental import pallas as pl
from jax.experimental.pallas import tpu as pltpu
from jax.experimental.pallas import tpu_sc as plsc

TOTAL_DIM = 366
N_INV = 87
TAB_ROWS = 88
TAB_COLS = 128

NC = 2
NS = 16
NW = NC * NS

CHUNK = 128
LANES = 16
GROUPS = CHUNK // LANES
C_UNROLL = 4


def _body(tab_hbm, idx_hbm, zeros_hbm, out_hbm,
          tab_v, idx0, idx1, blk0, blk1, wsem0, wsem1, isem0, isem1):
    wid = lax.axis_index("s") * NC + lax.axis_index("c")
    n = out_hbm.shape[1]
    cols_per_w = n // NW
    pairs = cols_per_w // (2 * CHUNK)
    base = wid * cols_per_w

    pltpu.sync_copy(tab_hbm, tab_v)
    pltpu.sync_copy(zeros_hbm, blk0)
    pltpu.sync_copy(zeros_hbm, blk1)

    bufs = ((idx0, blk0, wsem0, isem0), (idx1, blk1, wsem1, isem1))

    pltpu.async_copy(idx_hbm.at[pl.ds(base, CHUNK)], idx0, isem0)

    def do_block(b, idx_v, blk, wsem, isem, nxt, first):
        @pl.when(jnp.logical_not(first))
        def _():
            pltpu.make_async_copy(blk, out_hbm.at[:, pl.ds(b, CHUNK)], wsem).wait()
        pltpu.make_async_copy(idx_hbm.at[pl.ds(b, CHUNK)], idx_v, isem).wait()
        nxt_idx, nxt_isem = nxt
        b_next = lax.rem(b + CHUNK, n)
        pltpu.async_copy(idx_hbm.at[pl.ds(b_next, CHUNK)], nxt_idx, nxt_isem)
        zs = [idx_v[pl.ds(g * LANES, LANES)] for g in range(GROUPS)]

        def fill(i, carry):
            for u in range(C_UNROLL):
                c = i * C_UNROLL + u
                c_vec = jnp.full((LANES,), 0, jnp.int32) + c
                for g in range(GROUPS):
                    blk[c, pl.ds(g * LANES, LANES)] = plsc.load_gather(
                        tab_v, [c_vec, zs[g]]
                    )
            return carry

        lax.fori_loop(0, TAB_ROWS // C_UNROLL, fill, 0)
        pltpu.async_copy(blk, out_hbm.at[:, pl.ds(b, CHUNK)], wsem)

    def pair_step(p, carry):
        first = p == 0
        for k, (idx_v, blk, wsem, isem) in enumerate(bufs):
            other = bufs[1 - k]
            do_block(base + (2 * p + k) * CHUNK, idx_v, blk, wsem, isem,
                     (other[0], other[3]), first)
        return carry

    lax.fori_loop(0, pairs, pair_step, 0)

    for _, blk, wsem, _ in bufs:
        pltpu.make_async_copy(blk, out_hbm.at[:, pl.ds(base, CHUNK)], wsem).wait()
    pltpu.make_async_copy(idx_hbm.at[pl.ds(base, CHUNK)], idx0, isem0).wait()


@jax.jit
def kernel(Z, emb_table):
    n = Z.shape[0]
    tab_t = (
        jnp.zeros((TAB_ROWS, TAB_COLS), jnp.float32)
        .at[:N_INV, :N_INV]
        .set(emb_table.T)
    )
    idx = Z.reshape(n)
    zeros_blk = jnp.zeros((TOTAL_DIM, CHUNK), jnp.float32)

    mesh = plsc.VectorSubcoreMesh(core_axis_name="c", subcore_axis_name="s")
    run = pl.kernel(
        _body,
        out_type=jax.ShapeDtypeStruct((TOTAL_DIM, n), jnp.float32),
        mesh=mesh,
        scratch_types=[
            pltpu.VMEM((TAB_ROWS, TAB_COLS), jnp.float32),
            pltpu.VMEM((CHUNK,), jnp.int32),
            pltpu.VMEM((CHUNK,), jnp.int32),
            pltpu.VMEM((TOTAL_DIM, CHUNK), jnp.float32),
            pltpu.VMEM((TOTAL_DIM, CHUNK), jnp.float32),
            pltpu.SemaphoreType.DMA,
            pltpu.SemaphoreType.DMA,
            pltpu.SemaphoreType.DMA,
            pltpu.SemaphoreType.DMA,
        ],
        compiler_params=pltpu.CompilerParams(needs_layout_passes=False),
    )
    out_t = run(tab_t, idx, zeros_blk)
    return out_t.T

# --- scband reference (transcript-rebuilt; emitter-appended) ---
"""Pipeline reference for scband-spher-embed-31791347925867 (READ-ONLY COPY).

The authoritative reference and input builder live on the scoring server;
editing this copy changes nothing except your own understanding.
"""

import jax, jax.numpy as jnp
import numpy as np

# O3 metadata logic from __init__: metadata=[87,87,32,32], group='o3'
# n_irreps_per_l = (arange(len//2)*2+1).repeat_interleave(2) = [1,1,3,3]
METADATA = np.array([87, 87, 32, 32], dtype=np.int64)
N_IRREPS_PER_L = np.array([1, 1, 3, 3], dtype=np.int64)
TOTAL_DIM = int((METADATA * N_IRREPS_PER_L).sum())  # 366
N_INVARIANTS = int(METADATA[0])  # 87
ZMAX = 87
N_ATOMS = 262144


def setup_inputs(seed: int = 0) -> dict:
    key = jax.random.key(seed)
    k1, k2 = jax.random.split(key)
    Z = jax.random.randint(k1, (N_ATOMS, 1), 0, ZMAX, dtype=jnp.int32)
    # torch.nn.Embedding(num_embeddings=metadata[0]=87, embedding_dim=Zmax=87), init N(0,1)
    emb_table = jax.random.normal(k2, (N_INVARIANTS, ZMAX), dtype=jnp.float32)
    return {"Z": Z, "emb_table": emb_table}


def reference(Z, emb_table):
    # x_ten = zeros(*Z.shape[:-1], sum(metadata * n_irreps_per_l))
    x_ten = jnp.zeros((Z.shape[0], TOTAL_DIM), dtype=jnp.float32)
    # x_ten[..., :n_invariants] = embedding(Z)  (Z has trailing singleton dim -> squeeze)
    emb = jnp.take(emb_table, Z[:, 0], axis=0)  # (N, 87) SparseCore gather
    x_ten = x_ten.at[:, :N_INVARIANTS].set(emb)
    # O3Tensor wrapper only carries metadata; return the data tensor
    return x_ten

if __name__ == "__main__":
    import jax
    _d = setup_inputs()
    print(jax.jit(kernel)(*tuple(_d.values())))

</pallas_src>

<mosaic_0001>
#map = affine_map<(d0, d1) -> (0, 0)>
#map1 = affine_map<(d0, d1) -> (0)>
module attributes {stable_mosaic.version = 14 : i64} {
  func.func @_body(%arg0: i32, %arg1: i32, %arg2: memref<88x128xf32, #tpu.memory_space<hbm>>, %arg3: memref<262144xi32, #tpu.memory_space<hbm>>, %arg4: memref<366x128xf32, #tpu.memory_space<hbm>>, %arg5: memref<366x262144xf32, #tpu.memory_space<hbm>>, %arg6: memref<88x128xf32, #tpu.memory_space<vmem>>, %arg7: memref<128xi32, #tpu.memory_space<vmem>>, %arg8: memref<128xi32, #tpu.memory_space<vmem>>, %arg9: memref<366x128xf32, #tpu.memory_space<vmem>>, %arg10: memref<366x128xf32, #tpu.memory_space<vmem>>, %arg11: memref<!tpu.dma_semaphore, #tpu.memory_space<semaphore_mem>>, %arg12: memref<!tpu.dma_semaphore, #tpu.memory_space<semaphore_mem>>, %arg13: memref<!tpu.dma_semaphore, #tpu.memory_space<semaphore_mem>>, %arg14: memref<!tpu.dma_semaphore, #tpu.memory_space<semaphore_mem>>) attributes {dimension_semantics = [#tpu.dimension_semantics<core_parallel>, #tpu.dimension_semantics<subcore_parallel>], iteration_bounds = array<i64: 2, 16>, scalar_prefetch = 0 : i64, scratch_operands = 9 : i64, tpu.core_type = #tpu.core_type<sc_vector_subcore>, window_params = [{transform_indices = #map}, {transform_indices = #map1}, {transform_indices = #map}, {transform_indices = #map}]} {
    %mul3A = arith.constant 2 : i32
    %mul3A_0 = arith.muli %arg1, %mul3A : i32
    %add3A = arith.addi %mul3A_0, %arg0 : i32
    %mul3A_1 = arith.constant 8192 : i32
    %mul3A_2 = arith.muli %add3A, %mul3A_1 : i32
    "tpu.region"() ({
      %run_scoped3A = tpu.sem_alloc : memref<!tpu.dma_semaphore, #tpu.memory_space<semaphore_mem>>
      tpu.enqueue_dma source(%arg2 : memref<88x128xf32, #tpu.memory_space<hbm>>) target(%arg6 : memref<88x128xf32, #tpu.memory_space<vmem>>) target_semaphore(%run_scoped3A : memref<!tpu.dma_semaphore, #tpu.memory_space<semaphore_mem>>)
      tpu.wait_dma2 semaphore(%run_scoped3A : memref<!tpu.dma_semaphore, #tpu.memory_space<semaphore_mem>>) src(%arg2 : memref<88x128xf32, #tpu.memory_space<hbm>>) dst(%arg6 : memref<88x128xf32, #tpu.memory_space<vmem>>)
      tpu.yield
    }) : () -> ()
    "tpu.region"() ({
      %run_scoped3A = tpu.sem_alloc : memref<!tpu.dma_semaphore, #tpu.memory_space<semaphore_mem>>
      tpu.enqueue_dma source(%arg4 : memref<366x128xf32, #tpu.memory_space<hbm>>) target(%arg9 : memref<366x128xf32, #tpu.memory_space<vmem>>) target_semaphore(%run_scoped3A : memref<!tpu.dma_semaphore, #tpu.memory_space<semaphore_mem>>)
      tpu.wait_dma2 semaphore(%run_scoped3A : memref<!tpu.dma_semaphore, #tpu.memory_space<semaphore_mem>>) src(%arg4 : memref<366x128xf32, #tpu.memory_space<hbm>>) dst(%arg9 : memref<366x128xf32, #tpu.memory_space<vmem>>)
      tpu.yield
    }) : () -> ()
    "tpu.region"() ({
      %run_scoped3A = tpu.sem_alloc : memref<!tpu.dma_semaphore, #tpu.memory_space<semaphore_mem>>
      tpu.enqueue_dma source(%arg4 : memref<366x128xf32, #tpu.memory_space<hbm>>) target(%arg10 : memref<366x128xf32, #tpu.memory_space<vmem>>) target_semaphore(%run_scoped3A : memref<!tpu.dma_semaphore, #tpu.memory_space<semaphore_mem>>)
      tpu.wait_dma2 semaphore(%run_scoped3A : memref<!tpu.dma_semaphore, #tpu.memory_space<semaphore_mem>>) src(%arg4 : memref<366x128xf32, #tpu.memory_space<hbm>>) dst(%arg10 : memref<366x128xf32, #tpu.memory_space<vmem>>)
      tpu.yield
    }) : () -> ()
    %dma_start3A = tpu.memref_slice %arg3[%mul3A_2] : memref<262144xi32, #tpu.memory_space<hbm>> -> memref<128xi32, #tpu.memory_space<hbm>>
    %dma_start3A_3 = tpu.memref_slice %arg3[%mul3A_2] : memref<262144xi32, #tpu.memory_space<hbm>> -> memref<128xi32, #tpu.memory_space<hbm>>
    tpu.enqueue_dma source(%dma_start3A_3 : memref<128xi32, #tpu.memory_space<hbm>>) target(%arg7 : memref<128xi32, #tpu.memory_space<vmem>>) target_semaphore(%arg13 : memref<!tpu.dma_semaphore, #tpu.memory_space<semaphore_mem>>)
    %scan3A = arith.constant 0 : i32
    %scan3A_4 = arith.constant 0 : i32
    %scan3A_5 = arith.constant 32 : i32
    %scan3A_6 = arith.addi %scan3A_4, %scan3A_5 : i32
    %scan3A_7 = arith.constant 1 : i32
    scf.for %scan3A_18 = %scan3A_4 to %scan3A_6 step %scan3A_7  : i32 {
      %eq3A = arith.constant 0 : i32
      %eq3A_19 = arith.cmpi eq, %scan3A_18, %eq3A : i32
      %mul3A_20 = arith.constant 2 : i32
      %mul3A_21 = arith.muli %mul3A_20, %scan3A_18 : i32
      %add3A_22 = arith.constant 0 : i32
      %add3A_23 = arith.addi %mul3A_21, %add3A_22 : i32
      %mul3A_24 = arith.constant 128 : i32
      %mul3A_25 = arith.muli %add3A_23, %mul3A_24 : i32
      %add3A_26 = arith.addi %mul3A_2, %mul3A_25 : i32
      %not3A = arith.constant true
      %not3A_27 = arith.xori %eq3A_19, %not3A : i1
      %convert_element_type3A = arith.extui %not3A_27 : i1 to i32
      %cond3A = arith.constant 0 : i32
      %cond3A_28 = arith.cmpi ne, %convert_element_type3A, %cond3A : i32
      scf.if %cond3A_28 {
        %dma_wait3A_107 = arith.constant 0 : i32
        %dma_wait3A_108 = tpu.memref_slice %arg5[%dma_wait3A_107, %add3A_26] : memref<366x262144xf32, #tpu.memory_space<hbm>> -> memref<366x128xf32, #tpu.memory_space<hbm>>
        %dma_wait3A_109 = arith.constant 0 : i32
        %dma_wait3A_110 = tpu.memref_slice %arg5[%dma_wait3A_109, %add3A_26] : memref<366x262144xf32, #tpu.memory_space<hbm>> -> memref<366x128xf32, #tpu.memory_space<hbm>>
        tpu.wait_dma2 semaphore(%arg11 : memref<!tpu.dma_semaphore, #tpu.memory_space<semaphore_mem>>) src(%arg9 : memref<366x128xf32, #tpu.memory_space<vmem>>) dst(%dma_wait3A_110 : memref<366x128xf32, #tpu.memory_space<hbm>>)
      } else {
      }
      %dma_wait3A_29 = tpu.memref_slice %arg3[%add3A_26] : memref<262144xi32, #tpu.memory_space<hbm>> -> memref<128xi32, #tpu.memory_space<hbm>>
      %dma_wait3A_30 = tpu.memref_slice %arg3[%add3A_26] : memref<262144xi32, #tpu.memory_space<hbm>> -> memref<128xi32, #tpu.memory_space<hbm>>
      tpu.wait_dma2 semaphore(%arg13 : memref<!tpu.dma_semaphore, #tpu.memory_space<semaphore_mem>>) src(%dma_wait3A_30 : memref<128xi32, #tpu.memory_space<hbm>>) dst(%arg7 : memref<128xi32, #tpu.memory_space<vmem>>)
      %add3A_31 = arith.constant 128 : i32
      %add3A_32 = arith.addi %add3A_26, %add3A_31 : i32
      %rem3A = arith.constant 262144 : i32
      %rem3A_33 = arith.remsi %add3A_32, %rem3A : i32
      %dma_start3A_34 = tpu.memref_slice %arg3[%rem3A_33] : memref<262144xi32, #tpu.memory_space<hbm>> -> memref<128xi32, #tpu.memory_space<hbm>>
      %dma_start3A_35 = tpu.memref_slice %arg3[%rem3A_33] : memref<262144xi32, #tpu.memory_space<hbm>> -> memref<128xi32, #tpu.memory_space<hbm>>
      tpu.enqueue_dma source(%dma_start3A_35 : memref<128xi32, #tpu.memory_space<hbm>>) target(%arg8 : memref<128xi32, #tpu.memory_space<vmem>>) target_semaphore(%arg14 : memref<!tpu.dma_semaphore, #tpu.memory_space<semaphore_mem>>)
      %get3A = arith.constant 0 : index
      %get3A_36 = tpu.vector_load %arg7[%get3A] {strides = array<i32>} : memref<128xi32, #tpu.memory_space<vmem>>, vector<16xi32>,
      %get3A_37 = arith.constant 16 : index
      %get3A_38 = tpu.vector_load %arg7[%get3A_37] {strides = array<i32>} : memref<128xi32, #tpu.memory_space<vmem>>, vector<16xi32>,
      %get3A_39 = arith.constant 32 : index
      %get3A_40 = tpu.vector_load %arg7[%get3A_39] {strides = array<i32>} : memref<128xi32, #tpu.memory_space<vmem>>, vector<16xi32>,
      %get3A_41 = arith.constant 48 : index
      %get3A_42 = tpu.vector_load %arg7[%get3A_41] {strides = array<i32>} : memref<128xi32, #tpu.memory_space<vmem>>, vector<16xi32>,
      %get3A_43 = arith.constant 64 : index
      %get3A_44 = tpu.vector_load %arg7[%get3A_43] {strides = array<i32>} : memref<128xi32, #tpu.memory_space<vmem>>, vector<16xi32>,
      %get3A_45 = arith.constant 80 : index
      %get3A_46 = tpu.vector_load %arg7[%get3A_45] {strides = array<i32>} : memref<128xi32, #tpu.memory_space<vmem>>, vector<16xi32>,
      %get3A_47 = arith.constant 96 : index
      %get3A_48 = tpu.vector_load %arg7[%get3A_47] {strides = array<i32>} : memref<128xi32, #tpu.memory_space<vmem>>, vector<16xi32>,
      %get3A_49 = arith.constant 112 : index
      %get3A_50 = tpu.vector_load %arg7[%get3A_49] {strides = array<i32>} : memref<128xi32, #tpu.memory_space<vmem>>, vector<16xi32>,
      %scan3A_51 = arith.constant 0 : i32
      %scan3A_52 = arith.constant 0 : i32
      %scan3A_53 = arith.constant 22 : i32
      %scan3A_54 = arith.addi %scan3A_52, %scan3A_53 : i32
      %scan3A_55 = arith.constant 1 : i32
      scf.for %scan3A_107 = %scan3A_52 to %scan3A_54 step %scan3A_55  : i32 {
        %mul3A_108 = arith.constant 4 : i32
        %mul3A_109 = arith.muli %scan3A_107, %mul3A_108 : i32
        %add3A_110 = arith.constant 0 : i32
        %add3A_111 = arith.addi %mul3A_109, %add3A_110 : i32
        %broadcast_in_dim3A = arith.constant 0 : i32
        %broadcast_in_dim3A_112 = vector.broadcast %broadcast_in_dim3A : i32 to vector<16xi32>
        %add3A_113 = vector.broadcast %add3A_111 : i32 to vector<16xi32>
        %add3A_114 = arith.addi %broadcast_in_dim3A_112, %add3A_113 : vector<16xi32>
        %gather3A = tpu.vector_load_idx %arg6[%add3A_114, %get3A_36] : memref<88x128xf32, #tpu.memory_space<vmem>>[vector<16xi32>, vector<16xi32>], vector<16xf32>,
        %swap3A = arith.index_cast %add3A_111 : i32 to index
        %swap3A_115 = arith.constant 0 : index
        %swap3A_116 = tpu.vector_load %arg9[%swap3A, %swap3A_115] {strides = array<i32>} : memref<366x128xf32, #tpu.memory_space<vmem>>, vector<16xf32>,
        tpu.vector_store %arg9[%swap3A, %swap3A_115], %gather3A {strides = array<i32>} : memref<366x128xf32, #tpu.memory_space<vmem>>, vector<16xf32>,
        %gather3A_117 = tpu.vector_load_idx %arg6[%add3A_114, %get3A_38] : memref<88x128xf32, #tpu.memory_space<vmem>>[vector<16xi32>, vector<16xi32>], vector<16xf32>,
        %swap3A_118 = arith.index_cast %add3A_111 : i32 to index
        %swap3A_119 = arith.constant 16 : index
        %swap3A_120 = tpu.vector_load %arg9[%swap3A_118, %swap3A_119] {strides = array<i32>} : memref<366x128xf32, #tpu.memory_space<vmem>>, vector<16xf32>,
        tpu.vector_store %arg9[%swap3A_118, %swap3A_119], %gather3A_117 {strides = array<i32>} : memref<366x128xf32, #tpu.memory_space<vmem>>, vector<16xf32>,
        %gather3A_121 = tpu.vector_load_idx %arg6[%add3A_114, %get3A_40] : memref<88x128xf32, #tpu.memory_space<vmem>>[vector<16xi32>, vector<16xi32>], vector<16xf32>,
        %swap3A_122 = arith.index_cast %add3A_111 : i32 to index
        %swap3A_123 = arith.constant 32 : index
        %swap3A_124 = tpu.vector_load %arg9[%swap3A_122, %swap3A_123] {strides = array<i32>} : memref<366x128xf32, #tpu.memory_space<vmem>>, vector<16xf32>,
        tpu.vector_store %arg9[%swap3A_122, %swap3A_123], %gather3A_121 {strides = array<i32>} : memref<366x128xf32, #tpu.memory_space<vmem>>, vector<16xf32>,
        %gather3A_125 = tpu.vector_load_idx %arg6[%add3A_114, %get3A_42] : memref<88x128xf32, #tpu.memory_space<vmem>>[vector<16xi32>, vector<16xi32>], vector<16xf32>,
        %swap3A_126 = arith.index_cast %add3A_111 : i32 to index
        %swap3A_127 = arith.constant 48 : index
        %swap3A_128 = tpu.vector_load %arg9[%swap3A_126, %swap3A_127] {strides = array<i32>} : memref<366x128xf32, #tpu.memory_space<vmem>>, vector<16xf32>,
        tpu.vector_store %arg9[%swap3A_126, %swap3A_127], %gather3A_125 {strides = array<i32>} : memref<366x128xf32, #tpu.memory_space<vmem>>, vector<16xf32>,
        %gather3A_129 = tpu.vector_load_idx %arg6[%add3A_114, %get3A_44] : memref<88x128xf32, #tpu.memory_space<vmem>>[vector<16xi32>, vector<16xi32>], vector<16xf32>,
        %swap3A_130 = arith.index_cast %add3A_111 : i32 to index
        %swap3A_131 = arith.constant 64 : index
        %swap3A_132 = tpu.vector_load %arg9[%swap3A_130, %swap3A_131] {strides = array<i32>} : memref<366x128xf32, #tpu.memory_space<vmem>>, vector<16xf32>,
        tpu.vector_store %arg9[%swap3A_130, %swap3A_131], %gather3A_129 {strides = array<i32>} : memref<366x128xf32, #tpu.memory_space<vmem>>, vector<16xf32>,
        %gather3A_133 = tpu.vector_load_idx %arg6[%add3A_114, %get3A_46] : memref<88x128xf32, #tpu.memory_space<vmem>>[vector<16xi32>, vector<16xi32>], vector<16xf32>,
        %swap3A_134 = arith.index_cast %add3A_111 : i32 to index
        %swap3A_135 = arith.constant 80 : index
        %swap3A_136 = tpu.vector_load %arg9[%swap3A_134, %swap3A_135] {strides = array<i32>} : memref<366x128xf32, #tpu.memory_space<vmem>>, vector<16xf32>,
        tpu.vector_store %arg9[%swap3A_134, %swap3A_135], %gather3A_133 {strides = array<i32>} : memref<366x128xf32, #tpu.memory_space<vmem>>, vector<16xf32>,
        %gather3A_137 = tpu.vector_load_idx %arg6[%add3A_114, %get3A_48] : memref<88x128xf32, #tpu.memory_space<vmem>>[vector<16xi32>, vector<16xi32>], vector<16xf32>,
        %swap3A_138 = arith.index_cast %add3A_111 : i32 to index
        %swap3A_139 = arith.constant 96 : index
        %swap3A_140 = tpu.vector_load %arg9[%swap3A_138, %swap3A_139] {strides = array<i32>} : memref<366x128xf32, #tpu.memory_space<vmem>>, vector<16xf32>,
        tpu.vector_store %arg9[%swap3A_138, %swap3A_139], %gather3A_137 {strides = array<i32>} : memref<366x128xf32, #tpu.memory_space<vmem>>, vector<16xf32>,
        %gather3A_141 = tpu.vector_load_idx %arg6[%add3A_114, %get3A_50] : memref<88x128xf32, #tpu.memory_space<vmem>>[vector<16xi32>, vector<16xi32>], vector<16xf32>,
        %swap3A_142 = arith.index_cast %add3A_111 : i32 to index
        %swap3A_143 = arith.constant 112 : index
        %swap3A_144 = tpu.vector_load %arg9[%swap3A_142, %swap3A_143] {strides = array<i32>} : memref<366x128xf32, #tpu.memory_space<vmem>>, vector<16xf32>,
        tpu.vector_store %arg9[%swap3A_142, %swap3A_143], %gather3A_141 {strides = array<i32>} : memref<366x128xf32, #tpu.memory_space<vmem>>, vector<16xf32>,
        %mul3A_145 = arith.constant 4 : i32
        %mul3A_146 = arith.muli %scan3A_107, %mul3A_145 : i32
        %add3A_147 = arith.constant 1 : i32
        %add3A_148 = arith.addi %mul3A_146, %add3A_147 : i32
        %broadcast_in_dim3A_149 = arith.constant 0 : i32
        %broadcast_in_dim3A_150 = vector.broadcast %broadcast_in_dim3A_149 : i32 to vector<16xi32>
        %add3A_151 = vector.broadcast %add3A_148 : i32 to vector<16xi32>
        %add3A_152 = arith.addi %broadcast_in_dim3A_150, %add3A_151 : vector<16xi32>
        %gather3A_153 = tpu.vector_load_idx %arg6[%add3A_152, %get3A_36] : memref<88x128xf32, #tpu.memory_space<vmem>>[vector<16xi32>, vector<16xi32>], vector<16xf32>,
        %swap3A_154 = arith.index_cast %add3A_148 : i32 to index
        %swap3A_155 = arith.constant 0 : index
        %swap3A_156 = tpu.vector_load %arg9[%swap3A_154, %swap3A_155] {strides = array<i32>} : memref<366x128xf32, #tpu.memory_space<vmem>>, vector<16xf32>,
        tpu.vector_store %arg9[%swap3A_154, %swap3A_155], %gather3A_153 {strides = array<i32>} : memref<366x128xf32, #tpu.memory_space<vmem>>, vector<16xf32>,
        %gather3A_157 = tpu.vector_load_idx %arg6[%add3A_152, %get3A_38] : memref<88x128xf32, #tpu.memory_space<vmem>>[vector<16xi32>, vector<16xi32>], vector<16xf32>,
        %swap3A_158 = arith.index_cast %add3A_148 : i32 to index
        %swap3A_159 = arith.constant 16 : index
        %swap3A_160 = tpu.vector_load %arg9[%swap3A_158, %swap3A_159] {strides = array<i32>} : memref<366x128xf32, #tpu.memory_space<vmem>>, vector<16xf32>,
        tpu.vector_store %arg9[%swap3A_158, %swap3A_159], %gather3A_157 {strides = array<i32>} : memref<366x128xf32, #tpu.memory_space<vmem>>, vector<16xf32>,
        %gather3A_161 = tpu.vector_load_idx %arg6[%add3A_152, %get3A_40] : memref<88x128xf32, #tpu.memory_space<vmem>>[vector<16xi32>, vector<16xi32>], vector<16xf32>,
        %swap3A_162 = arith.index_cast %add3A_148 : i32 to index
        %swap3A_163 = arith.constant 32 : index
        %swap3A_164 = tpu.vector_load %arg9[%swap3A_162, %swap3A_163] {strides = array<i32>} : memref<366x128xf32, #tpu.memory_space<vmem>>, vector<16xf32>,
        tpu.vector_store %arg9[%swap3A_162, %swap3A_163], %gather3A_161 {strides = array<i32>} : memref<366x128xf32, #tpu.memory_space<vmem>>, vector<16xf32>,
        %gather3A_165 = tpu.vector_load_idx %arg6[%add3A_152, %get3A_42] : memref<88x128xf32, #tpu.memory_space<vmem>>[vector<16xi32>, vector<16xi32>], vector<16xf32>,
        %swap3A_166 = arith.index_cast %add3A_148 : i32 to index
        %swap3A_167 = arith.constant 48 : index
        %swap3A_168 = tpu.vector_load %arg9[%swap3A_166, %swap3A_167] {strides = array<i32>} : memref<366x128xf32, #tpu.memory_space<vmem>>, vector<16xf32>,
        tpu.vector_store %arg9[%swap3A_166, %swap3A_167], %gather3A_165 {strides = array<i32>} : memref<366x128xf32, #tpu.memory_space<vmem>>, vector<16xf32>,
        %gather3A_169 = tpu.vector_load_idx %arg6[%add3A_152, %get3A_44] : memref<88x128xf32, #tpu.memory_space<vmem>>[vector<16xi32>, vector<16xi32>], vector<16xf32>,
        %swap3A_170 = arith.index_cast %add3A_148 : i32 to index
        %swap3A_171 = arith.constant 64 : index
        %swap3A_172 = tpu.vector_load %arg9[%swap3A_170, %swap3A_171] {strides = array<i32>} : memref<366x128xf32, #tpu.memory_space<vmem>>, vector<16xf32>,
        tpu.vector_store %arg9[%swap3A_170, %swap3A_171], %gather3A_169 {strides = array<i32>} : memref<366x128xf32, #tpu.memory_space<vmem>>, vector<16xf32>,
        %gather3A_173 = tpu.vector_load_idx %arg6[%add3A_152, %get3A_46] : memref<88x128xf32, #tpu.memory_space<vmem>>[vector<16xi32>, vector<16xi32>], vector<16xf32>,
        %swap3A_174 = arith.index_cast %add3A_148 : i32 to index
        %swap3A_175 = arith.constant 80 : index
        %swap3A_176 = tpu.vector_load %arg9[%swap3A_174, %swap3A_175] {strides = array<i32>} : memref<366x128xf32, #tpu.memory_space<vmem>>, vector<16xf32>,
        tpu.vector_store %arg9[%swap3A_174, %swap3A_175], %gather3A_173 {strides = array<i32>} : memref<366x128xf32, #tpu.memory_space<vmem>>, vector<16xf32>,
        %gather3A_177 = tpu.vector_load_idx %arg6[%add3A_152, %get3A_48] : memref<88x128xf32, #tpu.memory_space<vmem>>[vector<16xi32>, vector<16xi32>], vector<16xf32>,
        %swap3A_178 = arith.index_cast %add3A_148 : i32 to index
        %swap3A_179 = arith.constant 96 : index
        %swap3A_180 = tpu.vector_load %arg9[%swap3A_178, %swap3A_179] {strides = array<i32>} : memref<366x128xf32, #tpu.memory_space<vmem>>, vector<16xf32>,
        tpu.vector_store %arg9[%swap3A_178, %swap3A_179], %gather3A_177 {strides = array<i32>} : memref<366x128xf32, #tpu.memory_space<vmem>>, vector<16xf32>,
        %gather3A_181 = tpu.vector_load_idx %arg6[%add3A_152, %get3A_50] : memref<88x128xf32, #tpu.memory_space<vmem>>[vector<16xi32>, vector<16xi32>], vector<16xf32>,
        %swap3A_182 = arith.index_cast %add3A_148 : i32 to index
        %swap3A_183 = arith.constant 112 : index
        %swap3A_184 = tpu.vector_load %arg9[%swap3A_182, %swap3A_183] {strides = array<i32>} : memref<366x128xf32, #tpu.memory_space<vmem>>, vector<16xf32>,
        tpu.vector_store %arg9[%swap3A_182, %swap3A_183], %gather3A_181 {strides = array<i32>} : memref<366x128xf32, #tpu.memory_space<vmem>>, vector<16xf32>,
        %mul3A_185 = arith.constant 4 : i32
        %mul3A_186 = arith.muli %scan3A_107, %mul3A_185 : i32
        %add3A_187 = arith.constant 2 : i32
        %add3A_188 = arith.addi %mul3A_186, %add3A_187 : i32
        %broadcast_in_dim3A_189 = arith.constant 0 : i32
        %broadcast_in_dim3A_190 = vector.broadcast %broadcast_in_dim3A_189 : i32 to vector<16xi32>
        %add3A_191 = vector.broadcast %add3A_188 : i32 to vector<16xi32>
        %add3A_192 = arith.addi %broadcast_in_dim3A_190, %add3A_191 : vector<16xi32>
        %gather3A_193 = tpu.vector_load_idx %arg6[%add3A_192, %get3A_36] : memref<88x128xf32, #tpu.memory_space<vmem>>[vector<16xi32>, vector<16xi32>], vector<16xf32>,
        %swap3A_194 = arith.index_cast %add3A_188 : i32 to index
        %swap3A_195 = arith.constant 0 : index
        %swap3A_196 = tpu.vector_load %arg9[%swap3A_194, %swap3A_195] {strides = array<i32>} : memref<366x128xf32, #tpu.memory_space<vmem>>, vector<16xf32>,
        tpu.vector_store %arg9[%swap3A_194, %swap3A_195], %gather3A_193 {strides = array<i32>} : memref<366x128xf32, #tpu.memory_space<vmem>>, vector<16xf32>,
        %gather3A_197 = tpu.vector_load_idx %arg6[%add3A_192, %get3A_38] : memref<88x128xf32, #tpu.memory_space<vmem>>[vector<16xi32>, vector<16xi32>], vector<16xf32>,
        %swap3A_198 = arith.index_cast %add3A_188 : i32 to index
        %swap3A_199 = arith.constant 16 : index
        %swap3A_200 = tpu.vector_load %arg9[%swap3A_198, %swap3A_199] {strides = array<i32>} : memref<366x128xf32, #tpu.memory_space<vmem>>, vector<16xf32>,
        tpu.vector_store %arg9[%swap3A_198, %swap3A_199], %gather3A_197 {strides = array<i32>} : memref<366x128xf32, #tpu.memory_space<vmem>>, vector<16xf32>,
        %gather3A_201 = tpu.vector_load_idx %arg6[%add3A_192, %get3A_40] : memref<88x128xf32, #tpu.memory_space<vmem>>[vector<16xi32>, vector<16xi32>], vector<16xf32>,
        %swap3A_202 = arith.index_cast %add3A_188 : i32 to index
        %swap3A_203 = arith.constant 32 : index
        %swap3A_204 = tpu.vector_load %arg9[%swap3A_202, %swap3A_203] {strides = array<i32>} : memref<366x128xf32, #tpu.memory_space<vmem>>, vector<16xf32>,
        tpu.vector_store %arg9[%swap3A_202, %swap3A_203], %gather3A_201 {strides = array<i32>} : memref<366x128xf32, #tpu.memory_space<vmem>>, vector<16xf32>,
        %gather3A_205 = tpu.vector_load_idx %arg6[%add3A_192, %get3A_42] : memref<88x128xf32, #tpu.memory_space<vmem>>[vector<16xi32>, vector<16xi32>], vector<16xf32>,
        %swap3A_206 = arith.index_cast %add3A_188 : i32 to index
        %swap3A_207 = arith.constant 48 : index
        %swap3A_208 = tpu.vector_load %arg9[%swap3A_206, %swap3A_207] {strides = array<i32>} : memref<366x128xf32, #tpu.memory_space<vmem>>, vector<16xf32>,
        tpu.vector_store %arg9[%swap3A_206, %swap3A_207], %gather3A_205 {strides = array<i32>} : memref<366x128xf32, #tpu.memory_space<vmem>>, vector<16xf32>,
        %gather3A_209 = tpu.vector_load_idx %arg6[%add3A_192, %get3A_44] : memref<88x128xf32, #tpu.memory_space<vmem>>[vector<16xi32>, vector<16xi32>], vector<16xf32>,
        %swap3A_210 = arith.index_cast %add3A_188 : i32 to index
        %swap3A_211 = arith.constant 64 : index
        %swap3A_212 = tpu.vector_load %arg9[%swap3A_210, %swap3A_211] {strides = array<i32>} : memref<366x128xf32, #tpu.memory_space<vmem>>, vector<16xf32>,
        tpu.vector_store %arg9[%swap3A_210, %swap3A_211], %gather3A_209 {strides = array<i32>} : memref<366x128xf32, #tpu.memory_space<vmem>>, vector<16xf32>,
        %gather3A_213 = tpu.vector_load_idx %arg6[%add3A_192, %get3A_46] : memref<88x128xf32, #tpu.memory_space<vmem>>[vector<16xi32>, vector<16xi32>], vector<16xf32>,
        %swap3A_214 = arith.index_cast %add3A_188 : i32 to index
        %swap3A_215 = arith.constant 80 : index
        %swap3A_216 = tpu.vector_load %arg9[%swap3A_214, %swap3A_215] {strides = array<i32>} : memref<366x128xf32, #tpu.memory_space<vmem>>, vector<16xf32>,
        tpu.vector_store %arg9[%swap3A_214, %swap3A_215], %gather3A_213 {strides = array<i32>} : memref<366x128xf32, #tpu.memory_space<vmem>>, vector<16xf32>,
        %gather3A_217 = tpu.vector_load_idx %arg6[%add3A_192, %get3A_48] : memref<88x128xf32, #tpu.memory_space<vmem>>[vector<16xi32>, vector<16xi32>], vector<16xf32>,
        %swap3A_218 = arith.index_cast %add3A_188 : i32 to index
        %swap3A_219 = arith.constant 96 : index
        %swap3A_220 = tpu.vector_load %arg9[%swap3A_218, %swap3A_219] {strides = array<i32>} : memref<366x128xf32, #tpu.memory_space<vmem>>, vector<16xf32>,
        tpu.vector_store %arg9[%swap3A_218, %swap3A_219], %gather3A_217 {strides = array<i32>} : memref<366x128xf32, #tpu.memory_space<vmem>>, vector<16xf32>,
        %gather3A_221 = tpu.vector_load_idx %arg6[%add3A_192, %get3A_50] : memref<88x128xf32, #tpu.memory_space<vmem>>[vector<16xi32>, vector<16xi32>], vector<16xf32>,
        %swap3A_222 = arith.index_cast %add3A_188 : i32 to index
        %swap3A_223 = arith.constant 112 : index
        %swap3A_224 = tpu.vector_load %arg9[%swap3A_222, %swap3A_223] {strides = array<i32>} : memref<366x128xf32, #tpu.memory_space<vmem>>, vector<16xf32>,
        tpu.vector_store %arg9[%swap3A_222, %swap3A_223], %gather3A_221 {strides = array<i32>} : memref<366x128xf32, #tpu.memory_space<vmem>>, vector<16xf32>,
        %mul3A_225 = arith.constant 4 : i32
        %mul3A_226 = arith.muli %scan3A_107, %mul3A_225 : i32
        %add3A_227 = arith.constant 3 : i32
        %add3A_228 = arith.addi %mul3A_226, %add3A_227 : i32
        %broadcast_in_dim3A_229 = arith.constant 0 : i32
        %broadcast_in_dim3A_230 = vector.broadcast %broadcast_in_dim3A_229 : i32 to vector<16xi32>
        %add3A_231 = vector.broadcast %add3A_228 : i32 to vector<16xi32>
        %add3A_232 = arith.addi %broadcast_in_dim3A_230, %add3A_231 : vector<16xi32>
        %gather3A_233 = tpu.vector_load_idx %arg6[%add3A_232, %get3A_36] : memref<88x128xf32, #tpu.memory_space<vmem>>[vector<16xi32>, vector<16xi32>], vector<16xf32>,
        %swap3A_234 = arith.index_cast %add3A_228 : i32 to index
        %swap3A_235 = arith.constant 0 : index
        %swap3A_236 = tpu.vector_load %arg9[%swap3A_234, %swap3A_235] {strides = array<i32>} : memref<366x128xf32, #tpu.memory_space<vmem>>, vector<16xf32>,
        tpu.vector_store %arg9[%swap3A_234, %swap3A_235], %gather3A_233 {strides = array<i32>} : memref<366x128xf32, #tpu.memory_space<vmem>>, vector<16xf32>,
        %gather3A_237 = tpu.vector_load_idx %arg6[%add3A_232, %get3A_38] : memref<88x128xf32, #tpu.memory_space<vmem>>[vector<16xi32>, vector<16xi32>], vector<16xf32>,
        %swap3A_238 = arith.index_cast %add3A_228 : i32 to index
        %swap3A_239 = arith.constant 16 : index
        %swap3A_240 = tpu.vector_load %arg9[%swap3A_238, %swap3A_239] {strides = array<i32>} : memref<366x128xf32, #tpu.memory_space<vmem>>, vector<16xf32>,
        tpu.vector_store %arg9[%swap3A_238, %swap3A_239], %gather3A_237 {strides = array<i32>} : memref<366x128xf32, #tpu.memory_space<vmem>>, vector<16xf32>,
        %gather3A_241 = tpu.vector_load_idx %arg6[%add3A_232, %get3A_40] : memref<88x128xf32, #tpu.memory_space<vmem>>[vector<16xi32>, vector<16xi32>], vector<16xf32>,
        %swap3A_242 = arith.index_cast %add3A_228 : i32 to index
        %swap3A_243 = arith.constant 32 : index
        %swap3A_244 = tpu.vector_load %arg9[%swap3A_242, %swap3A_243] {strides = array<i32>} : memref<366x128xf32, #tpu.memory_space<vmem>>, vector<16xf32>,
        tpu.vector_store %arg9[%swap3A_242, %swap3A_243], %gather3A_241 {strides = array<i32>} : memref<366x128xf32, #tpu.memory_space<vmem>>, vector<16xf32>,
        %gather3A_245 = tpu.vector_load_idx %arg6[%add3A_232, %get3A_42] : memref<88x128xf32, #tpu.memory_space<vmem>>[vector<16xi32>, vector<16xi32>], vector<16xf32>,
        %swap3A_246 = arith.index_cast %add3A_228 : i32 to index
        %swap3A_247 = arith.constant 48 : index
        %swap3A_248 = tpu.vector_load %arg9[%swap3A_246, %swap3A_247] {strides = array<i32>} : memref<366x128xf32, #tpu.memory_space<vmem>>, vector<16xf32>,
        tpu.vector_store %arg9[%swap3A_246, %swap3A_247], %gather3A_245 {strides = array<i32>} : memref<366x128xf32, #tpu.memory_space<vmem>>, vector<16xf32>,
        %gather3A_249 = tpu.vector_load_idx %arg6[%add3A_232, %get3A_44] : memref<88x128xf32, #tpu.memory_space<vmem>>[vector<16xi32>, vector<16xi32>], vector<16xf32>,
        %swap3A_250 = arith.index_cast %add3A_228 : i32 to index
        %swap3A_251 = arith.constant 64 : index
        %swap3A_252 = tpu.vector_load %arg9[%swap3A_250, %swap3A_251] {strides = array<i32>} : memref<366x128xf32, #tpu.memory_space<vmem>>, vector<16xf32>,
        tpu.vector_store %arg9[%swap3A_250, %swap3A_251], %gather3A_249 {strides = array<i32>} : memref<366x128xf32, #tpu.memory_space<vmem>>, vector<16xf32>,
        %gather3A_253 = tpu.vector_load_idx %arg6[%add3A_232, %get3A_46] : memref<88x128xf32, #tpu.memory_space<vmem>>[vector<16xi32>, vector<16xi32>], vector<16xf32>,
        %swap3A_254 = arith.index_cast %add3A_228 : i32 to index
        %swap3A_255 = arith.constant 80 : index
        %swap3A_256 = tpu.vector_load %arg9[%swap3A_254, %swap3A_255] {strides = array<i32>} : memref<366x128xf32, #tpu.memory_space<vmem>>, vector<16xf32>,
        tpu.vector_store %arg9[%swap3A_254, %swap3A_255], %gather3A_253 {strides = array<i32>} : memref<366x128xf32, #tpu.memory_space<vmem>>, vector<16xf32>,
        %gather3A_257 = tpu.vector_load_idx %arg6[%add3A_232, %get3A_48] : memref<88x128xf32, #tpu.memory_space<vmem>>[vector<16xi32>, vector<16xi32>], vector<16xf32>,
        %swap3A_258 = arith.index_cast %add3A_228 : i32 to index
        %swap3A_259 = arith.constant 96 : index
        %swap3A_260 = tpu.vector_load %arg9[%swap3A_258, %swap3A_259] {strides = array<i32>} : memref<366x128xf32, #tpu.memory_space<vmem>>, vector<16xf32>,
        tpu.vector_store %arg9[%swap3A_258, %swap3A_259], %gather3A_257 {strides = array<i32>} : memref<366x128xf32, #tpu.memory_space<vmem>>, vector<16xf32>,
        %gather3A_261 = tpu.vector_load_idx %arg6[%add3A_232, %get3A_50] : memref<88x128xf32, #tpu.memory_space<vmem>>[vector<16xi32>, vector<16xi32>], vector<16xf32>,
        %swap3A_262 = arith.index_cast %add3A_228 : i32 to index
        %swap3A_263 = arith.constant 112 : index
        %swap3A_264 = tpu.vector_load %arg9[%swap3A_262, %swap3A_263] {strides = array<i32>} : memref<366x128xf32, #tpu.memory_space<vmem>>, vector<16xf32>,
        tpu.vector_store %arg9[%swap3A_262, %swap3A_263], %gather3A_261 {strides = array<i32>} : memref<366x128xf32, #tpu.memory_space<vmem>>, vector<16xf32>,
      }
      %scan3A_56 = arith.constant 22 : i32
      %dma_start3A_57 = arith.constant 0 : i32
      %dma_start3A_58 = tpu.memref_slice %arg5[%dma_start3A_57, %add3A_26] : memref<366x262144xf32, #tpu.memory_space<hbm>> -> memref<366x128xf32, #tpu.memory_space<hbm>>
      %dma_start3A_59 = arith.constant 0 : i32
      %dma_start3A_60 = tpu.memref_slice %arg5[%dma_start3A_59, %add3A_26] : memref<366x262144xf32, #tpu.memory_space<hbm>> -> memref<366x128xf32, #tpu.memory_space<hbm>>
      tpu.enqueue_dma source(%arg9 : memref<366x128xf32, #tpu.memory_space<vmem>>) target(%dma_start3A_60 : memref<366x128xf32, #tpu.memory_space<hbm>>) target_semaphore(%arg11 : memref<!tpu.dma_semaphore, #tpu.memory_space<semaphore_mem>>)
      %mul3A_61 = arith.constant 2 : i32
      %mul3A_62 = arith.muli %mul3A_61, %scan3A_18 : i32
      %add3A_63 = arith.constant 1 : i32
      %add3A_64 = arith.addi %mul3A_62, %add3A_63 : i32
      %mul3A_65 = arith.constant 128 : i32
      %mul3A_66 = arith.muli %add3A_64, %mul3A_65 : i32
      %add3A_67 = arith.addi %mul3A_2, %mul3A_66 : i32
      %not3A_68 = arith.constant true
      %not3A_69 = arith.xori %eq3A_19, %not3A_68 : i1
      %convert_element_type3A_70 = arith.extui %not3A_69 : i1 to i32
      %cond3A_71 = arith.constant 0 : i32
      %cond3A_72 = arith.cmpi ne, %convert_element_type3A_70, %cond3A_71 : i32
      scf.if %cond3A_72 {
        %dma_wait3A_107 = arith.constant 0 : i32
        %dma_wait3A_108 = tpu.memref_slice %arg5[%dma_wait3A_107, %add3A_67] : memref<366x262144xf32, #tpu.memory_space<hbm>> -> memref<366x128xf32, #tpu.memory_space<hbm>>
        %dma_wait3A_109 = arith.constant 0 : i32
        %dma_wait3A_110 = tpu.memref_slice %arg5[%dma_wait3A_109, %add3A_67] : memref<366x262144xf32, #tpu.memory_space<hbm>> -> memref<366x128xf32, #tpu.memory_space<hbm>>
        tpu.wait_dma2 semaphore(%arg12 : memref<!tpu.dma_semaphore, #tpu.memory_space<semaphore_mem>>) src(%arg10 : memref<366x128xf32, #tpu.memory_space<vmem>>) dst(%dma_wait3A_110 : memref<366x128xf32, #tpu.memory_space<hbm>>)
      } else {
      }
      %dma_wait3A_73 = tpu.memref_slice %arg3[%add3A_67] : memref<262144xi32, #tpu.memory_space<hbm>> -> memref<128xi32, #tpu.memory_space<hbm>>
      %dma_wait3A_74 = tpu.memref_slice %arg3[%add3A_67] : memref<262144xi32, #tpu.memory_space<hbm>> -> memref<128xi32, #tpu.memory_space<hbm>>
      tpu.wait_dma2 semaphore(%arg14 : memref<!tpu.dma_semaphore, #tpu.memory_space<semaphore_mem>>) src(%dma_wait3A_74 : memref<128xi32, #tpu.memory_space<hbm>>) dst(%arg8 : memref<128xi32, #tpu.memory_space<vmem>>)
      %add3A_75 = arith.constant 128 : i32
      %add3A_76 = arith.addi %add3A_67, %add3A_75 : i32
      %rem3A_77 = arith.constant 262144 : i32
      %rem3A_78 = arith.remsi %add3A_76, %rem3A_77 : i32
      %dma_start3A_79 = tpu.memref_slice %arg3[%rem3A_78] : memref<262144xi32, #tpu.memory_space<hbm>> -> memref<128xi32, #tpu.memory_space<hbm>>
      %dma_start3A_80 = tpu.memref_slice %arg3[%rem3A_78] : memref<262144xi32, #tpu.memory_space<hbm>> -> memref<128xi32, #tpu.memory_space<hbm>>
      tpu.enqueue_dma source(%dma_start3A_80 : memref<128xi32, #tpu.memory_space<hbm>>) target(%arg7 : memref<128xi32, #tpu.memory_space<vmem>>) target_semaphore(%arg13 : memref<!tpu.dma_semaphore, #tpu.memory_space<semaphore_mem>>)
      %get3A_81 = arith.constant 0 : index
      %get3A_82 = tpu.vector_load %arg8[%get3A_81] {strides = array<i32>} : memref<128xi32, #tpu.memory_space<vmem>>, vector<16xi32>,
      %get3A_83 = arith.constant 16 : index
      %get3A_84 = tpu.vector_load %arg8[%get3A_83] {strides = array<i32>} : memref<128xi32, #tpu.memory_space<vmem>>, vector<16xi32>,
      %get3A_85 = arith.constant 32 : index
      %get3A_86 = tpu.vector_load %arg8[%get3A_85] {strides = array<i32>} : memref<128xi32, #tpu.memory_space<vmem>>, vector<16xi32>,
      %get3A_87 = arith.constant 48 : index
      %get3A_88 = tpu.vector_load %arg8[%get3A_87] {strides = array<i32>} : memref<128xi32, #tpu.memory_space<vmem>>, vector<16xi32>,
      %get3A_89 = arith.constant 64 : index
      %get3A_90 = tpu.vector_load %arg8[%get3A_89] {strides = array<i32>} : memref<128xi32, #tpu.memory_space<vmem>>, vector<16xi32>,
      %get3A_91 = arith.constant 80 : index
      %get3A_92 = tpu.vector_load %arg8[%get3A_91] {strides = array<i32>} : memref<128xi32, #tpu.memory_space<vmem>>, vector<16xi32>,
      %get3A_93 = arith.constant 96 : index
      %get3A_94 = tpu.vector_load %arg8[%get3A_93] {strides = array<i32>} : memref<128xi32, #tpu.memory_space<vmem>>, vector<16xi32>,
      %get3A_95 = arith.constant 112 : index
      %get3A_96 = tpu.vector_load %arg8[%get3A_95] {strides = array<i32>} : memref<128xi32, #tpu.memory_space<vmem>>, vector<16xi32>,
      %scan3A_97 = arith.constant 0 : i32
      %scan3A_98 = arith.constant 0 : i32
      %scan3A_99 = arith.constant 22 : i32
      %scan3A_100 = arith.addi %scan3A_98, %scan3A_99 : i32
      %scan3A_101 = arith.constant 1 : i32
      scf.for %scan3A_107 = %scan3A_98 to %scan3A_100 step %scan3A_101  : i32 {
        %mul3A_108 = arith.constant 4 : i32
        %mul3A_109 = arith.muli %scan3A_107, %mul3A_108 : i32
        %add3A_110 = arith.constant 0 : i32
        %add3A_111 = arith.addi %mul3A_109, %add3A_110 : i32
        %broadcast_in_dim3A = arith.constant 0 : i32
        %broadcast_in_dim3A_112 = vector.broadcast %broadcast_in_dim3A : i32 to vector<16xi32>
        %add3A_113 = vector.broadcast %add3A_111 : i32 to vector<16xi32>
        %add3A_114 = arith.addi %broadcast_in_dim3A_112, %add3A_113 : vector<16xi32>
        %gather3A = tpu.vector_load_idx %arg6[%add3A_114, %get3A_82] : memref<88x128xf32, #tpu.memory_space<vmem>>[vector<16xi32>, vector<16xi32>], vector<16xf32>,
        %swap3A = arith.index_cast %add3A_111 : i32 to index
        %swap3A_115 = arith.constant 0 : index
        %swap3A_116 = tpu.vector_load %arg10[%swap3A, %swap3A_115] {strides = array<i32>} : memref<366x128xf32, #tpu.memory_space<vmem>>, vector<16xf32>,
        tpu.vector_store %arg10[%swap3A, %swap3A_115], %gather3A {strides = array<i32>} : memref<366x128xf32, #tpu.memory_space<vmem>>, vector<16xf32>,
        %gather3A_117 = tpu.vector_load_idx %arg6[%add3A_114, %get3A_84] : memref<88x128xf32, #tpu.memory_space<vmem>>[vector<16xi32>, vector<16xi32>], vector<16xf32>,
        %swap3A_118 = arith.index_cast %add3A_111 : i32 to index
        %swap3A_119 = arith.constant 16 : index
        %swap3A_120 = tpu.vector_load %arg10[%swap3A_118, %swap3A_119] {strides = array<i32>} : memref<366x128xf32, #tpu.memory_space<vmem>>, vector<16xf32>,
        tpu.vector_store %arg10[%swap3A_118, %swap3A_119], %gather3A_117 {strides = array<i32>} : memref<366x128xf32, #tpu.memory_space<vmem>>, vector<16xf32>,
        %gather3A_121 = tpu.vector_load_idx %arg6[%add3A_114, %get3A_86] : memref<88x128xf32, #tpu.memory_space<vmem>>[vector<16xi32>, vector<16xi32>], vector<16xf32>,
        %swap3A_122 = arith.index_cast %add3A_111 : i32 to index
        %swap3A_123 = arith.constant 32 : index
        %swap3A_124 = tpu.vector_load %arg10[%swap3A_122, %swap3A_123] {strides = array<i32>} : memref<366x128xf32, #tpu.memory_space<vmem>>, vector<16xf32>,
        tpu.vector_store %arg10[%swap3A_122, %swap3A_123], %gather3A_121 {strides = array<i32>} : memref<366x128xf32, #tpu.memory_space<vmem>>, vector<16xf32>,
        %gather3A_125 = tpu.vector_load_idx %arg6[%add3A_114, %get3A_88] : memref<88x128xf32, #tpu.memory_space<vmem>>[vector<16xi32>, vector<16xi32>], vector<16xf32>,
        %swap3A_126 = arith.index_cast %add3A_111 : i32 to index
        %swap3A_127 = arith.constant 48 : index
        %swap3A_128 = tpu.vector_load %arg10[%swap3A_126, %swap3A_127] {strides = array<i32>} : memref<366x128xf32, #tpu.memory_space<vmem>>, vector<16xf32>,
        tpu.vector_store %arg10[%swap3A_126, %swap3A_127], %gather3A_125 {strides = array<i32>} : memref<366x128xf32, #tpu.memory_space<vmem>>, vector<16xf32>,
        %gather3A_129 = tpu.vector_load_idx %arg6[%add3A_114, %get3A_90] : memref<88x128xf32, #tpu.memory_space<vmem>>[vector<16xi32>, vector<16xi32>], vector<16xf32>,
        %swap3A_130 = arith.index_cast %add3A_111 : i32 to index
        %swap3A_131 = arith.constant 64 : index
        %swap3A_132 = tpu.vector_load %arg10[%swap3A_130, %swap3A_131] {strides = array<i32>} : memref<366x128xf32, #tpu.memory_space<vmem>>, vector<16xf32>,
        tpu.vector_store %arg10[%swap3A_130, %swap3A_131], %gather3A_129 {strides = array<i32>} : memref<366x128xf32, #tpu.memory_space<vmem>>, vector<16xf32>,
        %gather3A_133 = tpu.vector_load_idx %arg6[%add3A_114, %get3A_92] : memref<88x128xf32, #tpu.memory_space<vmem>>[vector<16xi32>, vector<16xi32>], vector<16xf32>,
        %swap3A_134 = arith.index_cast %add3A_111 : i32 to index
        %swap3A_135 = arith.constant 80 : index
        %swap3A_136 = tpu.vector_load %arg10[%swap3A_134, %swap3A_135] {strides = array<i32>} : memref<366x128xf32, #tpu.memory_space<vmem>>, vector<16xf32>,
        tpu.vector_store %arg10[%swap3A_134, %swap3A_135], %gather3A_133 {strides = array<i32>} : memref<366x128xf32, #tpu.memory_space<vmem>>, vector<16xf32>,
        %gather3A_137 = tpu.vector_load_idx %arg6[%add3A_114, %get3A_94] : memref<88x128xf32, #tpu.memory_space<vmem>>[vector<16xi32>, vector<16xi32>], vector<16xf32>,
        %swap3A_138 = arith.index_cast %add3A_111 : i32 to index
        %swap3A_139 = arith.constant 96 : index
        %swap3A_140 = tpu.vector_load %arg10[%swap3A_138, %swap3A_139] {strides = array<i32>} : memref<366x128xf32, #tpu.memory_space<vmem>>, vector<16xf32>,
        tpu.vector_store %arg10[%swap3A_138, %swap3A_139], %gather3A_137 {strides = array<i32>} : memref<366x128xf32, #tpu.memory_space<vmem>>, vector<16xf32>,
        %gather3A_141 = tpu.vector_load_idx %arg6[%add3A_114, %get3A_96] : memref<88x128xf32, #tpu.memory_space<vmem>>[vector<16xi32>, vector<16xi32>], vector<16xf32>,
        %swap3A_142 = arith.index_cast %add3A_111 : i32 to index
        %swap3A_143 = arith.constant 112 : index
        %swap3A_144 = tpu.vector_load %arg10[%swap3A_142, %swap3A_143] {strides = array<i32>} : memref<366x128xf32, #tpu.memory_space<vmem>>, vector<16xf32>,
        tpu.vector_store %arg10[%swap3A_142, %swap3A_143], %gather3A_141 {strides = array<i32>} : memref<366x128xf32, #tpu.memory_space<vmem>>, vector<16xf32>,
        %mul3A_145 = arith.constant 4 : i32
        %mul3A_146 = arith.muli %scan3A_107, %mul3A_145 : i32
        %add3A_147 = arith.constant 1 : i32
        %add3A_148 = arith.addi %mul3A_146, %add3A_147 : i32
        %broadcast_in_dim3A_149 = arith.constant 0 : i32
        %broadcast_in_dim3A_150 = vector.broadcast %broadcast_in_dim3A_149 : i32 to vector<16xi32>
        %add3A_151 = vector.broadcast %add3A_148 : i32 to vector<16xi32>
        %add3A_152 = arith.addi %broadcast_in_dim3A_150, %add3A_151 : vector<16xi32>
        %gather3A_153 = tpu.vector_load_idx %arg6[%add3A_152, %get3A_82] : memref<88x128xf32, #tpu.memory_space<vmem>>[vector<16xi32>, vector<16xi32>], vector<16xf32>,
        %swap3A_154 = arith.index_cast %add3A_148 : i32 to index
        %swap3A_155 = arith.constant 0 : index
        %swap3A_156 = tpu.vector_load %arg10[%swap3A_154, %swap3A_155] {strides = array<i32>} : memref<366x128xf32, #tpu.memory_space<vmem>>, vector<16xf32>,
        tpu.vector_store %arg10[%swap3A_154, %swap3A_155], %gather3A_153 {strides = array<i32>} : memref<366x128xf32, #tpu.memory_space<vmem>>, vector<16xf32>,
        %gather3A_157 = tpu.vector_load_idx %arg6[%add3A_152, %get3A_84] : memref<88x128xf32, #tpu.memory_space<vmem>>[vector<16xi32>, vector<16xi32>], vector<16xf32>,
        %swap3A_158 = arith.index_cast %add3A_148 : i32 to index
        %swap3A_159 = arith.constant 16 : index
        %swap3A_160 = tpu.vector_load %arg10[%swap3A_158, %swap3A_159] {strides = array<i32>} : memref<366x128xf32, #tpu.memory_space<vmem>>, vector<16xf32>,
        tpu.vector_store %arg10[%swap3A_158, %swap3A_159], %gather3A_157 {strides = array<i32>} : memref<366x128xf32, #tpu.memory_space<vmem>>, vector<16xf32>,
        %gather3A_161 = tpu.vector_load_idx %arg6[%add3A_152, %get3A_86] : memref<88x128xf32, #tpu.memory_space<vmem>>[vector<16xi32>, vector<16xi32>], vector<16xf32>,
        %swap3A_162 = arith.index_cast %add3A_148 : i32 to index
        %swap3A_163 = arith.constant 32 : index
        %swap3A_164 = tpu.vector_load %arg10[%swap3A_162, %swap3A_163] {strides = array<i32>} : memref<366x128xf32, #tpu.memory_space<vmem>>, vector<16xf32>,
        tpu.vector_store %arg10[%swap3A_162, %swap3A_163], %gather3A_161 {strides = array<i32>} : memref<366x128xf32, #tpu.memory_space<vmem>>, vector<16xf32>,
        %gather3A_165 = tpu.vector_load_idx %arg6[%add3A_152, %get3A_88] : memref<88x128xf32, #tpu.memory_space<vmem>>[vector<16xi32>, vector<16xi32>], vector<16xf32>,
        %swap3A_166 = arith.index_cast %add3A_148 : i32 to index
        %swap3A_167 = arith.constant 48 : index
        %swap3A_168 = tpu.vector_load %arg10[%swap3A_166, %swap3A_167] {strides = array<i32>} : memref<366x128xf32, #tpu.memory_space<vmem>>, vector<16xf32>,
        tpu.vector_store %arg10[%swap3A_166, %swap3A_167], %gather3A_165 {strides = array<i32>} : memref<366x128xf32, #tpu.memory_space<vmem>>, vector<16xf32>,
        %gather3A_169 = tpu.vector_load_idx %arg6[%add3A_152, %get3A_90] : memref<88x128xf32, #tpu.memory_space<vmem>>[vector<16xi32>, vector<16xi32>], vector<16xf32>,
        %swap3A_170 = arith.index_cast %add3A_148 : i32 to index
        %swap3A_171 = arith.constant 64 : index
        %swap3A_172 = tpu.vector_load %arg10[%swap3A_170, %swap3A_171] {strides = array<i32>} : memref<366x128xf32, #tpu.memory_space<vmem>>, vector<16xf32>,
        tpu.vector_store %arg10[%swap3A_170, %swap3A_171], %gather3A_169 {strides = array<i32>} : memref<366x128xf32, #tpu.memory_space<vmem>>, vector<16xf32>,
        %gather3A_173 = tpu.vector_load_idx %arg6[%add3A_152, %get3A_92] : memref<88x128xf32, #tpu.memory_space<vmem>>[vector<16xi32>, vector<16xi32>], vector<16xf32>,
        %swap3A_174 = arith.index_cast %add3A_148 : i32 to index
        %swap3A_175 = arith.constant 80 : index
        %swap3A_176 = tpu.vector_load %arg10[%swap3A_174, %swap3A_175] {strides = array<i32>} : memref<366x128xf32, #tpu.memory_space<vmem>>, vector<16xf32>,
        tpu.vector_store %arg10[%swap3A_174, %swap3A_175], %gather3A_173 {strides = array<i32>} : memref<366x128xf32, #tpu.memory_space<vmem>>, vector<16xf32>,
        %gather3A_177 = tpu.vector_load_idx %arg6[%add3A_152, %get3A_94] : memref<88x128xf32, #tpu.memory_space<vmem>>[vector<16xi32>, vector<16xi32>], vector<16xf32>,
        %swap3A_178 = arith.index_cast %add3A_148 : i32 to index
        %swap3A_179 = arith.constant 96 : index
        %swap3A_180 = tpu.vector_load %arg10[%swap3A_178, %swap3A_179] {strides = array<i32>} : memref<366x128xf32, #tpu.memory_space<vmem>>, vector<16xf32>,
        tpu.vector_store %arg10[%swap3A_178, %swap3A_179], %gather3A_177 {strides = array<i32>} : memref<366x128xf32, #tpu.memory_space<vmem>>, vector<16xf32>,
        %gather3A_181 = tpu.vector_load_idx %arg6[%add3A_152, %get3A_96] : memref<88x128xf32, #tpu.memory_space<vmem>>[vector<16xi32>, vector<16xi32>], vector<16xf32>,
        %swap3A_182 = arith.index_cast %add3A_148 : i32 to index
        %swap3A_183 = arith.constant 112 : index
        %swap3A_184 = tpu.vector_load %arg10[%swap3A_182, %swap3A_183] {strides = array<i32>} : memref<366x128xf32, #tpu.memory_space<vmem>>, vector<16xf32>,
        tpu.vector_store %arg10[%swap3A_182, %swap3A_183], %gather3A_181 {strides = array<i32>} : memref<366x128xf32, #tpu.memory_space<vmem>>, vector<16xf32>,
        %mul3A_185 = arith.constant 4 : i32
        %mul3A_186 = arith.muli %scan3A_107, %mul3A_185 : i32
        %add3A_187 = arith.constant 2 : i32
        %add3A_188 = arith.addi %mul3A_186, %add3A_187 : i32
        %broadcast_in_dim3A_189 = arith.constant 0 : i32
        %broadcast_in_dim3A_190 = vector.broadcast %broadcast_in_dim3A_189 : i32 to vector<16xi32>
        %add3A_191 = vector.broadcast %add3A_188 : i32 to vector<16xi32>
        %add3A_192 = arith.addi %broadcast_in_dim3A_190, %add3A_191 : vector<16xi32>
        %gather3A_193 = tpu.vector_load_idx %arg6[%add3A_192, %get3A_82] : memref<88x128xf32, #tpu.memory_space<vmem>>[vector<16xi32>, vector<16xi32>], vector<16xf32>,
        %swap3A_194 = arith.index_cast %add3A_188 : i32 to index
        %swap3A_195 = arith.constant 0 : index
        %swap3A_196 = tpu.vector_load %arg10[%swap3A_194, %swap3A_195] {strides = array<i32>} : memref<366x128xf32, #tpu.memory_space<vmem>>, vector<16xf32>,
        tpu.vector_store %arg10[%swap3A_194, %swap3A_195], %gather3A_193 {strides = array<i32>} : memref<366x128xf32, #tpu.memory_space<vmem>>, vector<16xf32>,
        %gather3A_197 = tpu.vector_load_idx %arg6[%add3A_192, %get3A_84] : memref<88x128xf32, #tpu.memory_space<vmem>>[vector<16xi32>, vector<16xi32>], vector<16xf32>,
        %swap3A_198 = arith.index_cast %add3A_188 : i32 to index
        %swap3A_199 = arith.constant 16 : index
        %swap3A_200 = tpu.vector_load %arg10[%swap3A_198, %swap3A_199] {strides = array<i32>} : memref<366x128xf32, #tpu.memory_space<vmem>>, vector<16xf32>,
        tpu.vector_store %arg10[%swap3A_198, %swap3A_199], %gather3A_197 {strides = array<i32>} : memref<366x128xf32, #tpu.memory_space<vmem>>, vector<16xf32>,
        %gather3A_201 = tpu.vector_load_idx %arg6[%add3A_192, %get3A_86] : memref<88x128xf32, #tpu.memory_space<vmem>>[vector<16xi32>, vector<16xi32>], vector<16xf32>,
        %swap3A_202 = arith.index_cast %add3A_188 : i32 to index
        %swap3A_203 = arith.constant 32 : index
        %swap3A_204 = tpu.vector_load %arg10[%swap3A_202, %swap3A_203] {strides = array<i32>} : memref<366x128xf32, #tpu.memory_space<vmem>>, vector<16xf32>,
        tpu.vector_store %arg10[%swap3A_202, %swap3A_203], %gather3A_201 {strides = array<i32>} : memref<366x128xf32, #tpu.memory_space<vmem>>, vector<16xf32>,
        %gather3A_205 = tpu.vector_load_idx %arg6[%add3A_192, %get3A_88] : memref<88x128xf32, #tpu.memory_space<vmem>>[vector<16xi32>, vector<16xi32>], vector<16xf32>,
        %swap3A_206 = arith.index_cast %add3A_188 : i32 to index
        %swap3A_207 = arith.constant 48 : index
        %swap3A_208 = tpu.vector_load %arg10[%swap3A_206, %swap3A_207] {strides = array<i32>} : memref<366x128xf32, #tpu.memory_space<vmem>>, vector<16xf32>,
        tpu.vector_store %arg10[%swap3A_206, %swap3A_207], %gather3A_205 {strides = array<i32>} : memref<366x128xf32, #tpu.memory_space<vmem>>, vector<16xf32>,
        %gather3A_209 = tpu.vector_load_idx %arg6[%add3A_192, %get3A_90] : memref<88x128xf32, #tpu.memory_space<vmem>>[vector<16xi32>, vector<16xi32>], vector<16xf32>,
        %swap3A_210 = arith.index_cast %add3A_188 : i32 to index
        %swap3A_211 = arith.constant 64 : index
        %swap3A_212 = tpu.vector_load %arg10[%swap3A_210, %swap3A_211] {strides = array<i32>} : memref<366x128xf32, #tpu.memory_space<vmem>>, vector<16xf32>,
        tpu.vector_store %arg10[%swap3A_210, %swap3A_211], %gather3A_209 {strides = array<i32>} : memref<366x128xf32, #tpu.memory_space<vmem>>, vector<16xf32>,
        %gather3A_213 = tpu.vector_load_idx %arg6[%add3A_192, %get3A_92] : memref<88x128xf32, #tpu.memory_space<vmem>>[vector<16xi32>, vector<16xi32>], vector<16xf32>,
        %swap3A_214 = arith.index_cast %add3A_188 : i32 to index
        %swap3A_215 = arith.constant 80 : index
        %swap3A_216 = tpu.vector_load %arg10[%swap3A_214, %swap3A_215] {strides = array<i32>} : memref<366x128xf32, #tpu.memory_space<vmem>>, vector<16xf32>,
        tpu.vector_store %arg10[%swap3A_214, %swap3A_215], %gather3A_213 {strides = array<i32>} : memref<366x128xf32, #tpu.memory_space<vmem>>, vector<16xf32>,
        %gather3A_217 = tpu.vector_load_idx %arg6[%add3A_192, %get3A_94] : memref<88x128xf32, #tpu.memory_space<vmem>>[vector<16xi32>, vector<16xi32>], vector<16xf32>,
        %swap3A_218 = arith.index_cast %add3A_188 : i32 to index
        %swap3A_219 = arith.constant 96 : index
        %swap3A_220 = tpu.vector_load %arg10[%swap3A_218, %swap3A_219] {strides = array<i32>} : memref<366x128xf32, #tpu.memory_space<vmem>>, vector<16xf32>,
        tpu.vector_store %arg10[%swap3A_218, %swap3A_219], %gather3A_217 {strides = array<i32>} : memref<366x128xf32, #tpu.memory_space<vmem>>, vector<16xf32>,
        %gather3A_221 = tpu.vector_load_idx %arg6[%add3A_192, %get3A_96] : memref<88x128xf32, #tpu.memory_space<vmem>>[vector<16xi32>, vector<16xi32>], vector<16xf32>,
        %swap3A_222 = arith.index_cast %add3A_188 : i32 to index
        %swap3A_223 = arith.constant 112 : index
        %swap3A_224 = tpu.vector_load %arg10[%swap3A_222, %swap3A_223] {strides = array<i32>} : memref<366x128xf32, #tpu.memory_space<vmem>>, vector<16xf32>,
        tpu.vector_store %arg10[%swap3A_222, %swap3A_223], %gather3A_221 {strides = array<i32>} : memref<366x128xf32, #tpu.memory_space<vmem>>, vector<16xf32>,
        %mul3A_225 = arith.constant 4 : i32
        %mul3A_226 = arith.muli %scan3A_107, %mul3A_225 : i32
        %add3A_227 = arith.constant 3 : i32
        %add3A_228 = arith.addi %mul3A_226, %add3A_227 : i32
        %broadcast_in_dim3A_229 = arith.constant 0 : i32
        %broadcast_in_dim3A_230 = vector.broadcast %broadcast_in_dim3A_229 : i32 to vector<16xi32>
        %add3A_231 = vector.broadcast %add3A_228 : i32 to vector<16xi32>
        %add3A_232 = arith.addi %broadcast_in_dim3A_230, %add3A_231 : vector<16xi32>
        %gather3A_233 = tpu.vector_load_idx %arg6[%add3A_232, %get3A_82] : memref<88x128xf32, #tpu.memory_space<vmem>>[vector<16xi32>, vector<16xi32>], vector<16xf32>,
        %swap3A_234 = arith.index_cast %add3A_228 : i32 to index
        %swap3A_235 = arith.constant 0 : index
        %swap3A_236 = tpu.vector_load %arg10[%swap3A_234, %swap3A_235] {strides = array<i32>} : memref<366x128xf32, #tpu.memory_space<vmem>>, vector<16xf32>,
        tpu.vector_store %arg10[%swap3A_234, %swap3A_235], %gather3A_233 {strides = array<i32>} : memref<366x128xf32, #tpu.memory_space<vmem>>, vector<16xf32>,
        %gather3A_237 = tpu.vector_load_idx %arg6[%add3A_232, %get3A_84] : memref<88x128xf32, #tpu.memory_space<vmem>>[vector<16xi32>, vector<16xi32>], vector<16xf32>,
        %swap3A_238 = arith.index_cast %add3A_228 : i32 to index
        %swap3A_239 = arith.constant 16 : index
        %swap3A_240 = tpu.vector_load %arg10[%swap3A_238, %swap3A_239] {strides = array<i32>} : memref<366x128xf32, #tpu.memory_space<vmem>>, vector<16xf32>,
        tpu.vector_store %arg10[%swap3A_238, %swap3A_239], %gather3A_237 {strides = array<i32>} : memref<366x128xf32, #tpu.memory_space<vmem>>, vector<16xf32>,
        %gather3A_241 = tpu.vector_load_idx %arg6[%add3A_232, %get3A_86] : memref<88x128xf32, #tpu.memory_space<vmem>>[vector<16xi32>, vector<16xi32>], vector<16xf32>,
        %swap3A_242 = arith.index_cast %add3A_228 : i32 to index
        %swap3A_243 = arith.constant 32 : index
        %swap3A_244 = tpu.vector_load %arg10[%swap3A_242, %swap3A_243] {strides = array<i32>} : memref<366x128xf32, #tpu.memory_space<vmem>>, vector<16xf32>,
        tpu.vector_store %arg10[%swap3A_242, %swap3A_243], %gather3A_241 {strides = array<i32>} : memref<366x128xf32, #tpu.memory_space<vmem>>, vector<16xf32>,
        %gather3A_245 = tpu.vector_load_idx %arg6[%add3A_232, %get3A_88] : memref<88x128xf32, #tpu.memory_space<vmem>>[vector<16xi32>, vector<16xi32>], vector<16xf32>,
        %swap3A_246 = arith.index_cast %add3A_228 : i32 to index
        %swap3A_247 = arith.constant 48 : index
        %swap3A_248 = tpu.vector_load %arg10[%swap3A_246, %swap3A_247] {strides = array<i32>} : memref<366x128xf32, #tpu.memory_space<vmem>>, vector<16xf32>,
        tpu.vector_store %arg10[%swap3A_246, %swap3A_247], %gather3A_245 {strides = array<i32>} : memref<366x128xf32, #tpu.memory_space<vmem>>, vector<16xf32>,
        %gather3A_249 = tpu.vector_load_idx %arg6[%add3A_232, %get3A_90] : memref<88x128xf32, #tpu.memory_space<vmem>>[vector<16xi32>, vector<16xi32>], vector<16xf32>,
        %swap3A_250 = arith.index_cast %add3A_228 : i32 to index
        %swap3A_251 = arith.constant 64 : index
        %swap3A_252 = tpu.vector_load %arg10[%swap3A_250, %swap3A_251] {strides = array<i32>} : memref<366x128xf32, #tpu.memory_space<vmem>>, vector<16xf32>,
        tpu.vector_store %arg10[%swap3A_250, %swap3A_251], %gather3A_249 {strides = array<i32>} : memref<366x128xf32, #tpu.memory_space<vmem>>, vector<16xf32>,
        %gather3A_253 = tpu.vector_load_idx %arg6[%add3A_232, %get3A_92] : memref<88x128xf32, #tpu.memory_space<vmem>>[vector<16xi32>, vector<16xi32>], vector<16xf32>,
        %swap3A_254 = arith.index_cast %add3A_228 : i32 to index
        %swap3A_255 = arith.constant 80 : index
        %swap3A_256 = tpu.vector_load %arg10[%swap3A_254, %swap3A_255] {strides = array<i32>} : memref<366x128xf32, #tpu.memory_space<vmem>>, vector<16xf32>,
        tpu.vector_store %arg10[%swap3A_254, %swap3A_255], %gather3A_253 {strides = array<i32>} : memref<366x128xf32, #tpu.memory_space<vmem>>, vector<16xf32>,
        %gather3A_257 = tpu.vector_load_idx %arg6[%add3A_232, %get3A_94] : memref<88x128xf32, #tpu.memory_space<vmem>>[vector<16xi32>, vector<16xi32>], vector<16xf32>,
        %swap3A_258 = arith.index_cast %add3A_228 : i32 to index
        %swap3A_259 = arith.constant 96 : index
        %swap3A_260 = tpu.vector_load %arg10[%swap3A_258, %swap3A_259] {strides = array<i32>} : memref<366x128xf32, #tpu.memory_space<vmem>>, vector<16xf32>,
        tpu.vector_store %arg10[%swap3A_258, %swap3A_259], %gather3A_257 {strides = array<i32>} : memref<366x128xf32, #tpu.memory_space<vmem>>, vector<16xf32>,
        %gather3A_261 = tpu.vector_load_idx %arg6[%add3A_232, %get3A_96] : memref<88x128xf32, #tpu.memory_space<vmem>>[vector<16xi32>, vector<16xi32>], vector<16xf32>,
        %swap3A_262 = arith.index_cast %add3A_228 : i32 to index
        %swap3A_263 = arith.constant 112 : index
        %swap3A_264 = tpu.vector_load %arg10[%swap3A_262, %swap3A_263] {strides = array<i32>} : memref<366x128xf32, #tpu.memory_space<vmem>>, vector<16xf32>,
        tpu.vector_store %arg10[%swap3A_262, %swap3A_263], %gather3A_261 {strides = array<i32>} : memref<366x128xf32, #tpu.memory_space<vmem>>, vector<16xf32>,
      }
      %scan3A_102 = arith.constant 22 : i32
      %dma_start3A_103 = arith.constant 0 : i32
      %dma_start3A_104 = tpu.memref_slice %arg5[%dma_start3A_103, %add3A_67] : memref<366x262144xf32, #tpu.memory_space<hbm>> -> memref<366x128xf32, #tpu.memory_space<hbm>>
      %dma_start3A_105 = arith.constant 0 : i32
      %dma_start3A_106 = tpu.memref_slice %arg5[%dma_start3A_105, %add3A_67] : memref<366x262144xf32, #tpu.memory_space<hbm>> -> memref<366x128xf32, #tpu.memory_space<hbm>>
      tpu.enqueue_dma source(%arg10 : memref<366x128xf32, #tpu.memory_space<vmem>>) target(%dma_start3A_106 : memref<366x128xf32, #tpu.memory_space<hbm>>) target_semaphore(%arg12 : memref<!tpu.dma_semaphore, #tpu.memory_space<semaphore_mem>>)
    }
    %scan3A_8 = arith.constant 32 : i32
    %dma_wait3A = arith.constant 0 : i32
    %dma_wait3A_9 = tpu.memref_slice %arg5[%dma_wait3A, %mul3A_2] : memref<366x262144xf32, #tpu.memory_space<hbm>> -> memref<366x128xf32, #tpu.memory_space<hbm>>
    %dma_wait3A_10 = arith.constant 0 : i32
    %dma_wait3A_11 = tpu.memref_slice %arg5[%dma_wait3A_10, %mul3A_2] : memref<366x262144xf32, #tpu.memory_space<hbm>> -> memref<366x128xf32, #tpu.memory_space<hbm>>
    tpu.wait_dma2 semaphore(%arg11 : memref<!tpu.dma_semaphore, #tpu.memory_space<semaphore_mem>>) src(%arg9 : memref<366x128xf32, #tpu.memory_space<vmem>>) dst(%dma_wait3A_11 : memref<366x128xf32, #tpu.memory_space<hbm>>)
    %dma_wait3A_12 = arith.constant 0 : i32
    %dma_wait3A_13 = tpu.memref_slice %arg5[%dma_wait3A_12, %mul3A_2] : memref<366x262144xf32, #tpu.memory_space<hbm>> -> memref<366x128xf32, #tpu.memory_space<hbm>>
    %dma_wait3A_14 = arith.constant 0 : i32
    %dma_wait3A_15 = tpu.memref_slice %arg5[%dma_wait3A_14, %mul3A_2] : memref<366x262144xf32, #tpu.memory_space<hbm>> -> memref<366x128xf32, #tpu.memory_space<hbm>>
    tpu.wait_dma2 semaphore(%arg12 : memref<!tpu.dma_semaphore, #tpu.memory_space<semaphore_mem>>) src(%arg10 : memref<366x128xf32, #tpu.memory_space<vmem>>) dst(%dma_wait3A_15 : memref<366x128xf32, #tpu.memory_space<hbm>>)
    %dma_wait3A_16 = tpu.memref_slice %arg3[%mul3A_2] : memref<262144xi32, #tpu.memory_space<hbm>> -> memref<128xi32, #tpu.memory_space<hbm>>
    %dma_wait3A_17 = tpu.memref_slice %arg3[%mul3A_2] : memref<262144xi32, #tpu.memory_space<hbm>> -> memref<128xi32, #tpu.memory_space<hbm>>
    tpu.wait_dma2 semaphore(%arg13 : memref<!tpu.dma_semaphore, #tpu.memory_space<semaphore_mem>>) src(%dma_wait3A_17 : memref<128xi32, #tpu.memory_space<hbm>>) dst(%arg7 : memref<128xi32, #tpu.memory_space<vmem>>)
    return
  }
}

</mosaic_0001>

<sc_bundles>
// kernel: kernel.3.cloned.1.call-start
scs
__scs_entry_jumppad:
0x0: {  	(pc) =	sbr.rel $0x88, $3  }
0x1: {  	(tag) =	ssettag $0x0;
	lr =	simm.s32 $0x1  }
0x2: {  	[smem:$0x3F9F] =	sst lr;
	_ =	strace $0xD0000000  }
0x3: {  	_ = 	snop  }
0x4: {  	_ = 	snop  }
0x5: {  	_ = 	snop  }
0x6: {  	_ = 	snop  }
0x7: {  	_ = 	snop  }
__scs_overlays_trampoline_lowered:
0x8: {  	[smem:$0x3FAE] =	sst s0  }
0x9: {  	[smem:$0x3FAF] =	sst s1  }
0xa: {  	[smem:$0x3FB0] =	sst s2  }
0xb: {  	[smem:$0x3FB1] =	sst s3  }
0xc: {  	[smem:$0x3FB2] =	sst s4  }
0xd: {  	[smem:$0x3FB3] =	sst s5  }
0xe: {  	[smem:$0x3FB4] =	sst s6  }
0xf: {  	[smem:$0x3FB5] =	sst s7  }
0x10: {  	[smem:$0x3FB6] =	sst s8  }
0x11: {  	[smem:$0x3FB7] =	sst s9;
	s0 =	simm.s32 @!p0 $0x0  }
0x12: {  	s1 =	sld [smem:$0x3F9D];
	s0 =	simm.s32 @p0 $0x1  }
0x13: {  	[smem:$0x3FB8] =	sst s0;
	s0 =	simm.s32 @!p1 $0x0  }
0x14: {  	s2 =	sld [smem:$0x3F9C];
	s0 =	simm.s32 @p1 $0x1  }
0x15: {  	[smem:$0x3FB9] =	sst s0;
	s0 =	simm.s32 @!p2 $0x0  }
0x16: {  	s3 =	sld [smem:$0x3FDB];
	s0 =	simm.s32 @p2 $0x1  }
0x17: {  	s4 =	simm.s32 $0x1BF5;
	[smem:$0x3FBB] =	sst s0  }
0x18: {  	s0 =	sld [smem:$0x3F9E];
	_ =	swait.ge [sflag:s4], $0x0  }
0x19: {  	s7 =	sld [smem:$0x3F9F]  }
0x1a: {  	s8 =	sadd.s32 $0xFFFFE003, lr  }
0x1b: {  	s9 =	sadd.s32 $0xFFFFFEF7, lr;
	s5 =	simm.s32 $0xFFFFFFFF;
	p2 =	slt.u32 s8, $0xFFFFF086  }
0x1c: {  	p1 =	slt.u32 s9, $0xF7A;
	s5 =	simm.s32 @!p2 $0x0  }
0x1d: {  	s5 =	simm.s32 @p1 $0x1;
	p0 =	seq.s32 s7, s2  }
0x1e: {  	s7 =	smul.u32 @!p0 $0xF7A, s2;
	p2 =	seq.s32 @!p0 s5, $0x0  }
0x1f: {  	s9 =	smul.u32 $0xF7A, s1;
	s8 =	simm.s32 @!p0 $0x1BF5;
	p2 =	por !p2, p0  }
0x20: {  	[sflag:s8] =	ssyncset.s32 @!p0 $0xFFFFF086;
	s6 =	sadd.s32 @!p0 s3, s7;
	s7 =	simm.s32 @!p0 $0x108  }
0x21: {  	s3 =	sadd.s32 s3, s9;
	s6 =	sadd.s32 @!p0 $0x88, s6;
	s7 =	simm.s32 @p2 $0x1082  }
0x22: {  	[simem:s7], [sflag:s8] =	dma.local @!p0 [hbm:s6], $0xF7A  }
0x23: {  	s9 =	sor.u32 $0xD0000000, s2;
	s6 =	simm.s32 $0x108;
	_ =	swait.ge @!p0 [sflag:s8], $0x0  }
0x24: {  	s3 =	sadd.s32 $0x88, s3;
	s6 =	simm.s32 @!p1 $0x1082;
	[sflag:s4] =	ssyncset.s32 $0xFFFFF086  }
0x25: {  	[simem:s6], [sflag:s4] =	dma.local [hbm:s3], $0xF7A  }
0x26: {  	[smem:$0x3F9F] =	sst s1;
	(tag) =	ssettag s2;
	_ =	strace s9  }
0x27: {  	s1 =	sld [smem:$0x3FAF]  }
0x28: {  	s2 =	sld [smem:$0x3FB0]  }
0x29: {  	s4 =	sld [smem:$0x3FB2]  }
0x2a: {  	p0 =	seq.s32 s5, $0x0;
	s5 =	sld [smem:$0x3FB3]  }
0x2b: {  	s6 =	sld [smem:$0x3FB4]  }
0x2c: {  	s7 =	sld [smem:$0x3FB5]  }
0x2d: {  	s3 =	simm.s32 $0x108;
	s8 =	sld [smem:$0x3FB6]  }
0x2e: {  	s3 =	simm.s32 @!p0 $0x1082;
	s9 =	sld [smem:$0x3FB7]  }
0x2f: {  	lr =	sadd.s32 s0, s3;
	s0 =	sld [smem:$0x3FAE]  }
0x30: {  	s3 =	sld [smem:$0x3FB1]  }
0x31: {  	[smem:$0x3FBA] =	sst s10  }
0x32: {  	s10 =	sld [smem:$0x3FB8];
	_ =	sdelay $0x3  }
0x33: {  	p0 =	seq.s32 s10, $0x1;
	s10 =	sld [smem:$0x3FBA];
	_ =	sdelay $0x3  }
0x34: {  	[smem:$0x3FBA] =	sst s10  }
0x35: {  	s10 =	sld [smem:$0x3FB9];
	_ =	sdelay $0x3  }
0x36: {  	p1 =	seq.s32 s10, $0x1;
	s10 =	sld [smem:$0x3FBA];
	_ =	sdelay $0x3  }
0x37: {  	[smem:$0x3FBA] =	sst s10  }
0x38: {  	s10 =	sld [smem:$0x3FBB]  }
0x39: {  	_ = 	snop;
	(pc) =	sbr.ind lr, $3  }
0x3a: {  	_ = 	snop  }
0x3b: {  	_ = 	snop  }
0x3c: {  	p2 =	seq.s32 s10, $0x1;
	s10 =	sld [smem:$0x3FBA]  }
0x3d: {  	_ =	shalt  }
0x3e: {  	_ =	shalt  }
0x3f: {  	_ =	shalt  }
0x40: {  	_ =	shalt  }
0x41: {  	_ =	shalt  }
0x42: {  	_ =	shalt  }
0x43: {  	_ =	shalt  }
0x44: {  	_ =	shalt  }
0x45: {  	_ =	shalt  }
0x46: {  	_ =	shalt  }
0x47: {  	_ =	shalt  }
0x48: {  	_ =	shalt  }
0x49: {  	_ =	shalt  }
0x4a: {  	_ =	shalt  }
0x4b: {  	_ =	shalt  }
0x4c: {  	_ =	shalt  }
0x4d: {  	_ =	shalt  }
0x4e: {  	_ =	shalt  }
0x4f: {  	_ =	shalt  }
0x50: {  	_ =	shalt  }
0x51: {  	_ =	shalt  }
0x52: {  	_ =	shalt  }
0x53: {  	_ =	shalt  }
0x54: {  	_ =	shalt  }
0x55: {  	_ =	shalt  }
0x56: {  	_ =	shalt  }
0x57: {  	_ =	shalt  }
0x58: {  	_ =	shalt  }
0x59: {  	_ =	shalt  }
0x5a: {  	_ =	shalt  }
0x5b: {  	_ =	shalt  }
0x5c: {  	_ =	shalt  }
0x5d: {  	_ =	shalt  }
0x5e: {  	_ =	shalt  }
0x5f: {  	_ =	shalt  }
0x60: {  	_ =	shalt  }
0x61: {  	_ =	shalt  }
0x62: {  	_ =	shalt  }
0x63: {  	_ =	shalt  }
0x64: {  	_ =	shalt  }
0x65: {  	_ =	shalt  }
0x66: {  	_ =	shalt  }
0x67: {  	_ =	shalt  }
0x68: {  	_ =	shalt  }
0x69: {  	_ =	shalt  }
0x6a: {  	_ =	shalt  }
0x6b: {  	_ =	shalt  }
0x6c: {  	_ =	shalt  }
0x6d: {  	_ =	shalt  }
0x6e: {  	_ =	shalt  }
0x6f: {  	_ =	shalt  }
0x70: {  	_ =	shalt  }
0x71: {  	_ =	shalt  }
0x72: {  	_ =	shalt  }
0x73: {  	_ =	shalt  }
0x74: {  	_ =	shalt  }
0x75: {  	_ =	shalt  }
0x76: {  	_ =	shalt  }
0x77: {  	_ =	shalt  }
0x78: {  	_ =	shalt  }
0x79: {  	_ =	shalt  }
0x7a: {  	_ =	shalt  }
0x7b: {  	_ =	shalt  }
0x7c: {  	_ =	shalt  }
0x7d: {  	_ =	shalt  }
0x7e: {  	_ =	shalt  }
0x7f: {  	_ =	shalt  }
0x80: {  	_ =	shalt  }
0x81: {  	_ =	shalt  }
0x82: {  	_ =	shalt  }
0x83: {  	_ =	shalt  }
0x84: {  	_ =	shalt  }
0x85: {  	_ =	shalt  }
0x86: {  	_ =	shalt  }
0x87: {  	_ =	shalt  }
.Lfunc_end0:
.L_simem_size_0:
called_computation_lowered:
.L_overlay_start_0:
0x88: {  	s2 =	sld [smem:$0x3FD9]  }
0x89: {  	s3 =	sld [smem:$0x3FFE];
	_ =	sdelay $0x1  }
0x8a: {  	s1 =	srdreg.scid  }
0x8b: {  	s0 =	sand.u32 $0x1, s1  }
0x8c: {  	s17 =	sshll.u32 s0, $0xA;
	s2 =	sadd.s32 s3, s2  }
0x8d: {  	s2 =	sadd.s32 s2, s17  }
0x8e: {  	[smem:$0x3FC6] =	sst s2  }
0x8f: {  	_ = 	snop  }
0x90: {  	s2 =	sld [smem:$0x3FC9]  }
0x91: {  	s18 =	sld [smem:$0x3FD0];
	(tm) =	ssettm $0x1  }
0x92: {  	s4 =	sld [smem:$0x3FFB];
	_ =	sdelay $0x3  }
0x93: {  	_ =	strace s4  }
0x94: {  	s4 =	sld [smem:$0x3FFC];
	_ =	sdelay $0x3  }
0x95: {  	_ =	strace s4  }
0x96: {  	s4 =	sld [smem:$0x3FFD];
	_ =	sdelay $0x3  }
0x97: {  	_ =	strace s4  }
0x98: {  	_ =	strace $0x8FFFFFFF  }
0x99: {  	s19 =	sld [smem:$0x3FDB];
	_ =	sdelay $0x1  }
0x9a: {  	s5 =	simm.s32 $_scs_section_size  }
0x9b: {  	s6 =	simm.s32 $_size__tile_overlayer_lowered;
	s7 =	simm.s32 $_tile_overlayer_lowered  }
0x9c: {  	s22 =	simm.s32 $0x1BFF;
	s21 =	sshll.u32 s7, $0x1;
	s4 =	sadd.s32 s5, s19  }
0x9d: {  	s8 =	simm.s32 $0x0;
	s20 =	sshll.u32 s6, $0x1;
	s6 =	sadd.s32 s21, s4  }
0x9e: {  	[timem:s8], [sflag:s22] =	dma.local [hbm:s6], s20  }
0x9f: {  	_ =	swait.ge [sflag:s22], s20  }
0xa0: {  	s5 =	ssub.s32 $0x0, s20;
	[sflag:s22] =	ssyncset.done $0x0  }
0xa1: {  	[sflag:s22] =	ssyncadd.s32 s5;
	_ =	sdelay $0x1  }
0xa2: {  	s23 =	simm.s32 $0x1B8B  }
0xa3: {  	_ =	swait.ge [sflag:s23], $0x1  }
0xa4: {  	[sflag:s23] =	ssyncset.done $0x0  }
0xa5: {  	s25 =	simm.s32 $0x1B8E;
	s24 =	sld [smem:$0x3FFE];
	[sflag:s23] =	ssyncadd.s32 $0xFFFFFFFF  }
0xa6: {  	s26 =	simm.s32 $execute0_lowered;
	[smem:$0x3FD2] =	sst s25  }
0xa7: {  	s6 =	sshll.u32 s26, $0x1;
	_ =	strace $0x80000046;
	[dreg:$0x1] =	wrdreg $0xFFFFFFFF  }
0xa8: {  	s28 =	simm.s32 $_size_execute0_lowered;
	s4 =	sadd.s32 s4, s6;
	[dreg:$0x0] =	wrdreg $0x0  }
0xa9: {  	s6 =	sshll.u32 s28, $0x1;
	[dreg:$0x2] =	wrdreg s4  }
0xaa: {  	[dreg:$0x3] =	wrdreg s6  }
0xab: {  	[dreg:$0x4] =	wrdreg $0xC0  }
0xac: {  	_ =	task [dreg:s8], $0x5FFFF  }
0xad: {  	[dreg:$0x1] =	wrdreg $0xFFFFFFFF  }
0xae: {  	[dreg:$0x0] =	wrdreg $0x60  }
0xaf: {  	[dreg:$0x2] =	wrdreg s24  }
0xb0: {  	[dreg:$0x3] =	wrdreg s2  }
0xb1: {  	[dreg:$0x4] =	wrdreg s18  }
0xb2: {  	[dreg:$0x5] =	wrdreg $0x9  }
0xb3: {  	_ =	task.clear_ibuf [dreg:s8], $0x6FFFF;
	_ =	strace $0x90000046  }
0xb4: {  	s29 =	simm.s32 $0x9;
	_ =	strace $0x80000048  }
0xb5: {  	_ =	swait.ge [sflag:s29], $0x1  }
0xb6: {  	[sflag:s29] =	ssyncadd.s32 $0xFFFFFFFF  }
0xb7: {  	_ =	strace $0x90000048  }
0xb8: {  	_ =	sfence  }
0xb9: {  	s30 =	sld [smem:$0x0];
	_ =	sdelay $0x2  }
0xba: {  	s31 =	sshll.u32 s1, $0xD;
	s1 =	sshrl.u32 s1, $0x2  }
0xbb: {  	s3 =	sand.u32 $0x4000, s31;
	s1 =	sadd.s32 s1, s30  }
0xbc: {  	s0 =	sor.u32 s3, s0;
	s1 =	sshll.u32 s1, $0x11  }
0xbd: {  	s0 =	sor.u32 s1, s0  }
0xbe: {  	s0 =	sadd.s32 $0x8F2B, s0  }
0xbf: {  	[sflag:s0] =	ssyncadd.remote.s32 $0x1  }
0xc0: {  	_ =	sfence.sel $0xFFFF  }
0xc1: {  	[dreg:$0x0] =	wrdreg $0xFFFFFFFF;
	(pc) =	sbr.abs _section_cstart, $3  }
0xc2: {  	[dreg:$0x1] =	wrdreg $0xFFFFFFFF  }
0xc3: {  	_ =	task.clear_ibuf [dreg:s8], $0x2FFFF;
	_ =	strace $0x9FFFFFFF  }
0xc4: {  	(tm) =	ssettm $0x7FFFFFFF  }
0xc5: {  	_ =	shalt  }
tec
execute0_lowered:
.L_overlay_start_1:
0x0: {  	(tag) =	ssettag $0x1  }
0x1: {  	s0 =	rddreg [dreg:$0x0]  }
0x2: {  	s1 =	rddreg [dreg:$0x1]  }
0x3: {  	s2 =	rddreg [dreg:$0x2];
	s4 =	simm.s32 $0x0;
	s5 =	srdreg.scid  }
0x4: {  	s3 =	stileid.u32;
	s11 =	simm.s32 $0x5;
	s12 =	simm.s32 $0x2D00  }
0x5: {  	s13 =	simm.s32 $0xE500;
	s14 =	simm.s32 $0x2C00;
	s15 =	simm.s32 $0x2C80  }
0x6: {  	s16 =	simm.s32 $0x400;
	s17 =	simm.s32 $0x200000;
	s18 =	simm.s32 $0xE100  }
0x7: {  	s19 =	simm.s32 $0x4;
	s20 =	simm.s32 $0x19900;
	s21 =	simm.s32 $0x1  }
0x8: {  	s22 =	simm.s32 $0x2;
	s23 =	simm.s32 $0x3;
	s24 =	simm.s32 $0x0  }
0x9: {  	[smem:$0x7FF] =	sst s4;
	s6 =	sand.u32 $0x1, s5;
	s7 =	sshll.u32 s3, $0xE  }
0xa: {  	s5 =	sadd.s32 $0x400, s0;
	s8 =	sshll.u32 s6, $0xD;
	s9 =	ssub.s32 $0x2, s6  }
0xb: {  	_ =	strace $0x80000047;
	s6 =	sor.u32 s8, s7;
	s31 =	sshrl.u32 s9, $0x1  }
0xc: {  	s7 =	sadd.s32 $0xA00, s0;
	s8 =	sshrl.u32 s6, $0x3;
	s0 =	ssub.s32 s9, s31  }
0xd: {  	s9 =	sadd.s32 $0x10, s1;
	s8 =	sadd.s32 s1, s8;
	s10 =	smax.u32 s0, $0x1  }
.LBB2_1:
0xe: {  	[tilespmem:s4], [sflag:$0x5] =	stream.linear.gather [hbm4b:s5+s4], $0x2C00, $0x38;
	[tilespmem:$0x19D00] =	vst v63  }
0xf: {  	_ =	swait.ge [sflag:s11], $0x2C00  }
0x10: {  	[sflag:s11] =	ssyncset.done $0x0  }
0x11: {  	[sflag:s11] =	ssyncadd.s32 $0xFFFFD400  }
0x12: {  	[tilespmem:s12], [sflag:$0x5] =	stream.linear.gather [hbm4b:s7+s4], $0xB700, $0x38;
	[tilespmem:$0x19D00] =	vst v63  }
0x13: {  	_ =	swait.ge [sflag:s11], $0xB700  }
0x14: {  	[sflag:s11] =	ssyncset.done $0x0  }
0x15: {  	[sflag:s11] =	ssyncadd.s32 $0xFFFF4900  }
0x16: {  	[tilespmem:s13], [sflag:$0x5] =	stream.linear.gather [hbm4b:s7+s4], $0xB700, $0x38;
	[tilespmem:$0x19D00] =	vst v63  }
0x17: {  	_ =	swait.ge [sflag:s11], $0xB700  }
0x18: {  	[sflag:s11] =	ssyncset.done $0x0  }
0x19: {  	s25 =	simm.s32 $0x0;
	[sflag:s11] =	ssyncadd.s32 $0xFFFF4900  }
0x1a: {  	[tilespmem:s14], [sflag:$0x3] =	stream.linear.gather [hbm4b:s8+s4], $0x80, $0x38;
	[tilespmem:$0x19D00] =	vst v63  }
.LBB2_2:
0x1b: {  	p0 =	seq.s32 s25, $0x0  }
0x1c: {  	s0 =	simm.s32 @!p0 $0x1  }
0x1d: {  	_ =	swait.ge @!p0 [sflag:s0], $0xB700  }
0x1e: {  	[sflag:s0] =	ssyncset.done @!p0 $0x0  }
0x1f: {  	s26 =	sshll.u32 s25, $0x8;
	[sflag:s0] =	ssyncadd.s32 @!p0 $0xFFFF4900;
	s0 =	simm.s32 $0x3  }
0x20: {  	s26 =	sor.u32 s6, s26;
	_ =	swait.ge [sflag:s0], $0x80  }
0x21: {  	s28 =	sshrl.u32 s26, $0x3;
	[sflag:s0] =	ssyncset.done $0x0  }
0x22: {  	[sflag:s0] =	ssyncadd.s32 $0xFFFFFF80;
	s0 =	sadd.s32 s28, s9  }
0x23: {  	[tilespmem:s15], [sflag:$0x4] =	stream.linear.gather [hbm4b:s0+s4], $0x80, $0x38;
	[tilespmem:$0x19D00] =	vst v63  }
0x24: {  	v6 =	vld [tilespmem:$0x2C00];
	_ =	sdelay $0x3  }
0x25: {  	s0 =	simm.s32 $0x0  }
0x26: {  	v0 =	vadd.s32 s0, v6  }
0x27: {  	v7 =	vld [tilespmem:$0x2C10];
	_ =	sdelay $0x2  }
0x28: {  	v5 =	vld [tilespmem:$0x2C20]  }
0x29: {  	v8 =	vld.idx.msk [tilespmem:v0+s4+$0x0], $0xffff  }
0x2a: {  	v4 =	vld [tilespmem:$0x2C30];
	v9 =	vadd.s32 s0, v7  }
0x2b: {  	v3 =	vld [tilespmem:$0x2C40]  }
0x2c: {  	v2 =	vld [tilespmem:$0x2C50]  }
0x2d: {  	s29 =	simm.s32 $0x2E00;
	v1 =	vld [tilespmem:$0x2C60]  }
0x2e: {  	v0 =	vld [tilespmem:$0x2C70];
	[tilespmem:s29+$0xFFFFFF00] =	vst v8  }
0x2f: {  	v8 =	vld.idx.msk [tilespmem:v9+s4+$0x0], $0xffff  }
0x30: {  	v9 =	vadd.s32 s0, v5;
	_ =	sdelay $0x3  }
0x31: {  	[tilespmem:s29+$0xFFFFFF10] =	vst v8  }
0x32: {  	v8 =	vld.idx.msk [tilespmem:v9+s4+$0x0], $0xffff  }
0x33: {  	v9 =	vadd.s32 s0, v4;
	_ =	sdelay $0x3  }
0x34: {  	[tilespmem:s29+$0xFFFFFF20] =	vst v8  }
0x35: {  	v8 =	vld.idx.msk [tilespmem:v9+s4+$0x0], $0xffff  }
0x36: {  	v9 =	vadd.s32 s0, v3;
	_ =	sdelay $0x3  }
0x37: {  	[tilespmem:s29+$0xFFFFFF30] =	vst v8  }
0x38: {  	v8 =	vld.idx.msk [tilespmem:v9+s4+$0x0], $0xffff  }
0x39: {  	v9 =	vadd.s32 s0, v2;
	_ =	sdelay $0x3  }
0x3a: {  	[tilespmem:s29+$0xFFFFFF40] =	vst v8  }
0x3b: {  	v8 =	vld.idx.msk [tilespmem:v9+s4+$0x0], $0xffff  }
0x3c: {  	v9 =	vadd.s32 s0, v1;
	_ =	sdelay $0x3  }
0x3d: {  	[tilespmem:s29+$0xFFFFFF50] =	vst v8  }
0x3e: {  	v8 =	vld.idx.msk [tilespmem:v9+s4+$0x0], $0xffff  }
0x3f: {  	v9 =	vadd.s32 s0, v0;
	_ =	sdelay $0x3  }
0x40: {  	[tilespmem:s29+$0xFFFFFF60] =	vst v8  }
0x41: {  	s0 =	simm.s32 $0x80;
	v8 =	vld.idx.msk [tilespmem:v9+s4+$0x0], $0xffff  }
0x42: {  	v9 =	vadd.s32 s0, v6;
	_ =	sdelay $0x3  }
0x43: {  	[tilespmem:s29+$0xFFFFFF70] =	vst v8  }
0x44: {  	v8 =	vld.idx.msk [tilespmem:v9+s4+$0x0], $0xffff  }
0x45: {  	v9 =	vadd.s32 s0, v7;
	_ =	sdelay $0x3  }
0x46: {  	[tilespmem:s29+$0xFFFFFF80] =	vst v8  }
0x47: {  	v8 =	vld.idx.msk [tilespmem:v9+s4+$0x0], $0xffff  }
0x48: {  	v9 =	vadd.s32 s0, v5;
	_ =	sdelay $0x3  }
0x49: {  	[tilespmem:s29+$0xFFFFFF90] =	vst v8  }
0x4a: {  	v8 =	vld.idx.msk [tilespmem:v9+s4+$0x0], $0xffff  }
0x4b: {  	v9 =	vadd.s32 s0, v4;
	_ =	sdelay $0x3  }
0x4c: {  	[tilespmem:s29+$0xFFFFFFA0] =	vst v8  }
0x4d: {  	v8 =	vld.idx.msk [tilespmem:v9+s4+$0x0], $0xffff  }
0x4e: {  	v9 =	vadd.s32 s0, v3;
	_ =	sdelay $0x3  }
0x4f: {  	[tilespmem:s29+$0xFFFFFFB0] =	vst v8  }
0x50: {  	v8 =	vld.idx.msk [tilespmem:v9+s4+$0x0], $0xffff  }
0x51: {  	v9 =	vadd.s32 s0, v2;
	_ =	sdelay $0x3  }
0x52: {  	[tilespmem:s29+$0xFFFFFFC0] =	vst v8  }
0x53: {  	v8 =	vld.idx.msk [tilespmem:v9+s4+$0x0], $0xffff  }
0x54: {  	v9 =	vadd.s32 s0, v1;
	_ =	sdelay $0x3  }
0x55: {  	[tilespmem:s29+$0xFFFFFFD0] =	vst v8  }
0x56: {  	v8 =	vld.idx.msk [tilespmem:v9+s4+$0x0], $0xffff  }
0x57: {  	v9 =	vadd.s32 s0, v0;
	_ =	sdelay $0x3  }
0x58: {  	[tilespmem:s29+$0xFFFFFFE0] =	vst v8  }
0x59: {  	s0 =	simm.s32 $0x100;
	v8 =	vld.idx.msk [tilespmem:v9+s4+$0x0], $0xffff  }
0x5a: {  	v9 =	vadd.s32 s0, v6;
	_ =	sdelay $0x3  }
0x5b: {  	[tilespmem:s29+$0xFFFFFFF0] =	vst v8  }
0x5c: {  	v8 =	vld.idx.msk [tilespmem:v9+s4+$0x0], $0xffff  }
0x5d: {  	v9 =	vadd.s32 s0, v7;
	_ =	sdelay $0x3  }
0x5e: {  	[tilespmem:s29+$0x0] =	vst v8  }
0x5f: {  	v8 =	vld.idx.msk [tilespmem:v9+s4+$0x0], $0xffff  }
0x60: {  	v9 =	vadd.s32 s0, v5;
	_ =	sdelay $0x3  }
0x61: {  	[tilespmem:s29+$0x10] =	vst v8  }
0x62: {  	v8 =	vld.idx.msk [tilespmem:v9+s4+$0x0], $0xffff  }
0x63: {  	v9 =	vadd.s32 s0, v4;
	_ =	sdelay $0x3  }
0x64: {  	[tilespmem:s29+$0x20] =	vst v8  }
0x65: {  	v8 =	vld.idx.msk [tilespmem:v9+s4+$0x0], $0xffff  }
0x66: {  	v9 =	vadd.s32 s0, v3;
	_ =	sdelay $0x3  }
0x67: {  	[tilespmem:s29+$0x30] =	vst v8  }
0x68: {  	v8 =	vld.idx.msk [tilespmem:v9+s4+$0x0], $0xffff  }
0x69: {  	v9 =	vadd.s32 s0, v2;
	_ =	sdelay $0x3  }
0x6a: {  	[tilespmem:s29+$0x40] =	vst v8  }
0x6b: {  	v8 =	vld.idx.msk [tilespmem:v9+s4+$0x0], $0xffff  }
0x6c: {  	v9 =	vadd.s32 s0, v1;
	_ =	sdelay $0x3  }
0x6d: {  	[tilespmem:s29+$0x50] =	vst v8  }
0x6e: {  	v8 =	vld.idx.msk [tilespmem:v9+s4+$0x0], $0xffff  }
0x6f: {  	v9 =	vadd.s32 s0, v0;
	_ =	sdelay $0x3  }
0x70: {  	[tilespmem:s29+$0x60] =	vst v8  }
0x71: {  	s0 =	simm.s32 $0x180;
	v8 =	vld.idx.msk [tilespmem:v9+s4+$0x0], $0xffff  }
0x72: {  	v9 =	vadd.s32 s0, v6;
	_ =	sdelay $0x3  }
0x73: {  	[tilespmem:s29+$0x70] =	vst v8  }
0x74: {  	v8 =	vld.idx.msk [tilespmem:v9+s4+$0x0], $0xffff  }
0x75: {  	v9 =	vadd.s32 s0, v7;
	_ =	sdelay $0x3  }
0x76: {  	[tilespmem:s29+$0x80] =	vst v8  }
0x77: {  	v8 =	vld.idx.msk [tilespmem:v9+s4+$0x0], $0xffff  }
0x78: {  	v9 =	vadd.s32 s0, v5;
	_ =	sdelay $0x3  }
0x79: {  	[tilespmem:s29+$0x90] =	vst v8  }
0x7a: {  	v8 =	vld.idx.msk [tilespmem:v9+s4+$0x0], $0xffff  }
0x7b: {  	v9 =	vadd.s32 s0, v4;
	_ =	sdelay $0x3  }
0x7c: {  	[tilespmem:s29+$0xA0] =	vst v8  }
0x7d: {  	v8 =	vld.idx.msk [tilespmem:v9+s4+$0x0], $0xffff  }
0x7e: {  	v9 =	vadd.s32 s0, v3;
	_ =	sdelay $0x3  }
0x7f: {  	[tilespmem:s29+$0xB0] =	vst v8  }
0x80: {  	v8 =	vld.idx.msk [tilespmem:v9+s4+$0x0], $0xffff  }
0x81: {  	v9 =	vadd.s32 s0, v2;
	_ =	sdelay $0x3  }
0x82: {  	[tilespmem:s29+$0xC0] =	vst v8  }
0x83: {  	v8 =	vld.idx.msk [tilespmem:v9+s4+$0x0], $0xffff  }
0x84: {  	v9 =	vadd.s32 s0, v1;
	_ =	sdelay $0x3  }
0x85: {  	[tilespmem:s29+$0xD0] =	vst v8  }
0x86: {  	v8 =	vld.idx.msk [tilespmem:v9+s4+$0x0], $0xffff  }
0x87: {  	v9 =	vadd.s32 s0, v0;
	_ =	sdelay $0x3  }
0x88: {  	[tilespmem:s29+$0xE0] =	vst v8  }
0x89: {  	s30 =	simm.s32 $0x380;
	s31 =	simm.s32 $0xB;
	v8 =	vld.idx.msk [tilespmem:v9+s4+$0x0], $0xffff  }
.LBB2_3:
0x8a: {  	p1 =	sne.s32 s31, $0x57;
	s0 =	sadd.s32 $0xFFFFFE80, s30  }
0x8b: {  	v9 =	vadd.s32 s0, v6;
	_ =	sdelay $0x3  }
0x8c: {  	[tilespmem:s29+$0xF0] =	vst v8  }
0x8d: {  	v8 =	vld.idx.msk [tilespmem:v9+s4+$0x0], $0xffff;
	_ =	sdelay $0x1  }
0x8e: {  	v9 =	vadd.s32 s0, v7;
	_ =	sdelay $0x2  }
0x8f: {  	s29 =	sadd.s32 $0x200, s29  }
0x90: {  	[tilespmem:s29+$0xFFFFFF00] =	vst v8  }
0x91: {  	v8 =	vld.idx.msk [tilespmem:v9+s4+$0x0], $0xffff;
	_ =	sdelay $0x1  }
0x92: {  	v9 =	vadd.s32 s0, v5;
	_ =	sdelay $0x3  }
0x93: {  	[tilespmem:s29+$0xFFFFFF10] =	vst v8  }
0x94: {  	v8 =	vld.idx.msk [tilespmem:v9+s4+$0x0], $0xffff;
	_ =	sdelay $0x1  }
0x95: {  	v9 =	vadd.s32 s0, v4;
	_ =	sdelay $0x3  }
0x96: {  	[tilespmem:s29+$0xFFFFFF20] =	vst v8  }
0x97: {  	v8 =	vld.idx.msk [tilespmem:v9+s4+$0x0], $0xffff;
	_ =	sdelay $0x1  }
0x98: {  	v9 =	vadd.s32 s0, v3;
	_ =	sdelay $0x3  }
0x99: {  	[tilespmem:s29+$0xFFFFFF30] =	vst v8  }
0x9a: {  	v8 =	vld.idx.msk [tilespmem:v9+s4+$0x0], $0xffff;
	_ =	sdelay $0x1  }
0x9b: {  	v9 =	vadd.s32 s0, v2;
	_ =	sdelay $0x3  }
0x9c: {  	[tilespmem:s29+$0xFFFFFF40] =	vst v8  }
0x9d: {  	v8 =	vld.idx.msk [tilespmem:v9+s4+$0x0], $0xffff;
	_ =	sdelay $0x1  }
0x9e: {  	v9 =	vadd.s32 s0, v1;
	_ =	sdelay $0x3  }
0x9f: {  	[tilespmem:s29+$0xFFFFFF50] =	vst v8  }
0xa0: {  	v8 =	vld.idx.msk [tilespmem:v9+s4+$0x0], $0xffff;
	_ =	sdelay $0x1  }
0xa1: {  	v9 =	vadd.s32 s0, v0;
	_ =	sdelay $0x3  }
0xa2: {  	[tilespmem:s29+$0xFFFFFF60] =	vst v8  }
0xa3: {  	v8 =	vld.idx.msk [tilespmem:v9+s4+$0x0], $0xffff  }
0xa4: {  	s0 =	sadd.s32 $0xFFFFFF00, s30  }
0xa5: {  	v9 =	vadd.s32 s0, v6;
	_ =	sdelay $0x3  }
0xa6: {  	[tilespmem:s29+$0xFFFFFF70] =	vst v8  }
0xa7: {  	v8 =	vld.idx.msk [tilespmem:v9+s4+$0x0], $0xffff;
	_ =	sdelay $0x1  }
0xa8: {  	v9 =	vadd.s32 s0, v7;
	_ =	sdelay $0x3  }
0xa9: {  	[tilespmem:s29+$0xFFFFFF80] =	vst v8  }
0xaa: {  	v8 =	vld.idx.msk [tilespmem:v9+s4+$0x0], $0xffff;
	_ =	sdelay $0x1  }
0xab: {  	v9 =	vadd.s32 s0, v5;
	_ =	sdelay $0x3  }
0xac: {  	[tilespmem:s29+$0xFFFFFF90] =	vst v8  }
0xad: {  	v8 =	vld.idx.msk [tilespmem:v9+s4+$0x0], $0xffff;
	_ =	sdelay $0x1  }
0xae: {  	v9 =	vadd.s32 s0, v4;
	_ =	sdelay $0x3  }
0xaf: {  	[tilespmem:s29+$0xFFFFFFA0] =	vst v8  }
0xb0: {  	v8 =	vld.idx.msk [tilespmem:v9+s4+$0x0], $0xffff;
	_ =	sdelay $0x1  }
0xb1: {  	v9 =	vadd.s32 s0, v3;
	_ =	sdelay $0x3  }
0xb2: {  	[tilespmem:s29+$0xFFFFFFB0] =	vst v8  }
0xb3: {  	v8 =	vld.idx.msk [tilespmem:v9+s4+$0x0], $0xffff;
	_ =	sdelay $0x1  }
0xb4: {  	v9 =	vadd.s32 s0, v2;
	_ =	sdelay $0x3  }
0xb5: {  	[tilespmem:s29+$0xFFFFFFC0] =	vst v8  }
0xb6: {  	v8 =	vld.idx.msk [tilespmem:v9+s4+$0x0], $0xffff;
	_ =	sdelay $0x1  }
0xb7: {  	v9 =	vadd.s32 s0, v1;
	_ =	sdelay $0x3  }
0xb8: {  	[tilespmem:s29+$0xFFFFFFD0] =	vst v8  }
0xb9: {  	v8 =	vld.idx.msk [tilespmem:v9+s4+$0x0], $0xffff;
	_ =	sdelay $0x1  }
0xba: {  	v9 =	vadd.s32 s0, v0;
	_ =	sdelay $0x3  }
0xbb: {  	[tilespmem:s29+$0xFFFFFFE0] =	vst v8  }
0xbc: {  	v8 =	vld.idx.msk [tilespmem:v9+s4+$0x0], $0xffff  }
0xbd: {  	s0 =	sadd.s32 $0xFFFFFF80, s30  }
0xbe: {  	v9 =	vadd.s32 s0, v6;
	_ =	sdelay $0x3  }
0xbf: {  	[tilespmem:s29+$0xFFFFFFF0] =	vst v8  }
0xc0: {  	v8 =	vld.idx.msk [tilespmem:v9+s4+$0x0], $0xffff;
	_ =	sdelay $0x1  }
0xc1: {  	v9 =	vadd.s32 s0, v7;
	_ =	sdelay $0x3  }
0xc2: {  	[tilespmem:s29+$0x0] =	vst v8  }
0xc3: {  	v8 =	vld.idx.msk [tilespmem:v9+s4+$0x0], $0xffff;
	_ =	sdelay $0x1  }
0xc4: {  	v9 =	vadd.s32 s0, v5;
	_ =	sdelay $0x3  }
0xc5: {  	[tilespmem:s29+$0x10] =	vst v8  }
0xc6: {  	v8 =	vld.idx.msk [tilespmem:v9+s4+$0x0], $0xffff;
	_ =	sdelay $0x1  }
0xc7: {  	v9 =	vadd.s32 s0, v4;
	_ =	sdelay $0x3  }
0xc8: {  	[tilespmem:s29+$0x20] =	vst v8  }
0xc9: {  	v8 =	vld.idx.msk [tilespmem:v9+s4+$0x0], $0xffff;
	_ =	sdelay $0x1  }
0xca: {  	v9 =	vadd.s32 s0, v3;
	_ =	sdelay $0x3  }
0xcb: {  	[tilespmem:s29+$0x30] =	vst v8  }
0xcc: {  	v8 =	vld.idx.msk [tilespmem:v9+s4+$0x0], $0xffff;
	_ =	sdelay $0x1  }
0xcd: {  	v9 =	vadd.s32 s0, v2;
	_ =	sdelay $0x3  }
0xce: {  	[tilespmem:s29+$0x40] =	vst v8  }
0xcf: {  	v8 =	vld.idx.msk [tilespmem:v9+s4+$0x0], $0xffff;
	_ =	sdelay $0x1  }
0xd0: {  	v9 =	vadd.s32 s0, v1;
	_ =	sdelay $0x3  }
0xd1: {  	[tilespmem:s29+$0x50] =	vst v8  }
0xd2: {  	v8 =	vld.idx.msk [tilespmem:v9+s4+$0x0], $0xffff;
	_ =	sdelay $0x1  }
0xd3: {  	v9 =	vadd.s32 s0, v0;
	_ =	sdelay $0x3  }
0xd4: {  	[tilespmem:s29+$0x60] =	vst v8  }
0xd5: {  	v8 =	vld.idx.msk [tilespmem:v9+s4+$0x0], $0xffff;
	_ =	sdelay $0x1  }
0xd6: {  	v9 =	vadd.s32 s30, v6;
	_ =	sdelay $0x3  }
0xd7: {  	[tilespmem:s29+$0x70] =	vst v8  }
0xd8: {  	v8 =	vld.idx.msk [tilespmem:v9+s4+$0x0], $0xffff;
	_ =	sdelay $0x1  }
0xd9: {  	v9 =	vadd.s32 s30, v7;
	_ =	sdelay $0x3  }
0xda: {  	[tilespmem:s29+$0x80] =	vst v8  }
0xdb: {  	v8 =	vld.idx.msk [tilespmem:v9+s4+$0x0], $0xffff;
	_ =	sdelay $0x1  }
0xdc: {  	v9 =	vadd.s32 s30, v5;
	_ =	sdelay $0x3  }
0xdd: {  	[tilespmem:s29+$0x90] =	vst v8  }
0xde: {  	v8 =	vld.idx.msk [tilespmem:v9+s4+$0x0], $0xffff;
	_ =	sdelay $0x1  }
0xdf: {  	v9 =	vadd.s32 s30, v4;
	_ =	sdelay $0x3  }
0xe0: {  	[tilespmem:s29+$0xA0] =	vst v8  }
0xe1: {  	v8 =	vld.idx.msk [tilespmem:v9+s4+$0x0], $0xffff;
	_ =	sdelay $0x1  }
0xe2: {  	v9 =	vadd.s32 s30, v3;
	_ =	sdelay $0x3  }
0xe3: {  	[tilespmem:s29+$0xB0] =	vst v8  }
0xe4: {  	v8 =	vld.idx.msk [tilespmem:v9+s4+$0x0], $0xffff;
	_ =	sdelay $0x1  }
0xe5: {  	v9 =	vadd.s32 s30, v2;
	_ =	sdelay $0x3  }
0xe6: {  	[tilespmem:s29+$0xC0] =	vst v8  }
0xe7: {  	v8 =	vld.idx.msk [tilespmem:v9+s4+$0x0], $0xffff;
	_ =	sdelay $0x1  }
0xe8: {  	v9 =	vadd.s32 s30, v1;
	_ =	sdelay $0x3  }
0xe9: {  	[tilespmem:s29+$0xD0] =	vst v8  }
0xea: {  	v8 =	vld.idx.msk [tilespmem:v9+s4+$0x0], $0xffff;
	_ =	sdelay $0x1  }
0xeb: {  	v9 =	vadd.s32 s30, v0  }
.Ltmp0:
0xec: {  	(pc) =	sbr.rel @p1 .LBB2_3-.Ltmp0, $3  }
0xed: {  	_ =	sdelay $0x1  }
0xee: {  	[tilespmem:s29+$0xE0] =	vst v8  }
0xef: {  	s30 =	sshll.u32 s31, $0x7;
	s31 =	sadd.s32 $0x4, s31;
	v8 =	vld.idx.msk [tilespmem:v9+s4+$0x0], $0xffff  }
0xf0: {  	s0 =	sadd.s32 $0xFFFFFE80, s30  }
0xf1: {  	v9 =	vadd.s32 s0, v6;
	_ =	sdelay $0x3  }
0xf2: {  	[tilespmem:s29+$0xF0] =	vst v8  }
0xf3: {  	v8 =	vld.idx.msk [tilespmem:v9+s4+$0x0], $0xffff  }
0xf4: {  	v9 =	vadd.s32 s0, v7;
	_ =	sdelay $0x2  }
0xf5: {  	s29 =	sadd.s32 $0x200, s29  }
0xf6: {  	[tilespmem:s29+$0xFFFFFF00] =	vst v8  }
0xf7: {  	v8 =	vld.idx.msk [tilespmem:v9+s4+$0x0], $0xffff  }
0xf8: {  	v9 =	vadd.s32 s0, v5;
	_ =	sdelay $0x3  }
0xf9: {  	[tilespmem:s29+$0xFFFFFF10] =	vst v8  }
0xfa: {  	v8 =	vld.idx.msk [tilespmem:v9+s4+$0x0], $0xffff  }
0xfb: {  	v9 =	vadd.s32 s0, v4;
	_ =	sdelay $0x3  }
0xfc: {  	[tilespmem:s29+$0xFFFFFF20] =	vst v8  }
0xfd: {  	v8 =	vld.idx.msk [tilespmem:v9+s4+$0x0], $0xffff  }
0xfe: {  	v9 =	vadd.s32 s0, v3;
	_ =	sdelay $0x3  }
0xff: {  	[tilespmem:s29+$0xFFFFFF30] =	vst v8  }
0x100: {  	v8 =	vld.idx.msk [tilespmem:v9+s4+$0x0], $0xffff  }
0x101: {  	v9 =	vadd.s32 s0, v2;
	_ =	sdelay $0x3  }
0x102: {  	[tilespmem:s29+$0xFFFFFF40] =	vst v8  }
0x103: {  	v8 =	vld.idx.msk [tilespmem:v9+s4+$0x0], $0xffff  }
0x104: {  	v9 =	vadd.s32 s0, v1;
	_ =	sdelay $0x3  }
0x105: {  	[tilespmem:s29+$0xFFFFFF50] =	vst v8  }
0x106: {  	v8 =	vld.idx.msk [tilespmem:v9+s4+$0x0], $0xffff  }
0x107: {  	v9 =	vadd.s32 s0, v0;
	_ =	sdelay $0x3  }
0x108: {  	[tilespmem:s29+$0xFFFFFF60] =	vst v8  }
0x109: {  	s31 =	sadd.s32 $0xFFFFFF00, s30;
	v8 =	vld.idx.msk [tilespmem:v9+s4+$0x0], $0xffff  }
0x10a: {  	v9 =	vadd.s32 s31, v6;
	_ =	sdelay $0x3  }
0x10b: {  	[tilespmem:s29+$0xFFFFFF70] =	vst v8  }
0x10c: {  	v8 =	vld.idx.msk [tilespmem:v9+s4+$0x0], $0xffff  }
0x10d: {  	v9 =	vadd.s32 s31, v7;
	_ =	sdelay $0x3  }
0x10e: {  	[tilespmem:s29+$0xFFFFFF80] =	vst v8  }
0x10f: {  	v8 =	vld.idx.msk [tilespmem:v9+s4+$0x0], $0xffff  }
0x110: {  	v9 =	vadd.s32 s31, v5;
	_ =	sdelay $0x3  }
0x111: {  	[tilespmem:s29+$0xFFFFFF90] =	vst v8  }
0x112: {  	v8 =	vld.idx.msk [tilespmem:v9+s4+$0x0], $0xffff  }
0x113: {  	v9 =	vadd.s32 s31, v4;
	_ =	sdelay $0x3  }
0x114: {  	[tilespmem:s29+$0xFFFFFFA0] =	vst v8  }
0x115: {  	v8 =	vld.idx.msk [tilespmem:v9+s4+$0x0], $0xffff  }
0x116: {  	v9 =	vadd.s32 s31, v3;
	_ =	sdelay $0x3  }
0x117: {  	[tilespmem:s29+$0xFFFFFFB0] =	vst v8  }
0x118: {  	v8 =	vld.idx.msk [tilespmem:v9+s4+$0x0], $0xffff  }
0x119: {  	v9 =	vadd.s32 s31, v2;
	_ =	sdelay $0x3  }
0x11a: {  	[tilespmem:s29+$0xFFFFFFC0] =	vst v8  }
0x11b: {  	v8 =	vld.idx.msk [tilespmem:v9+s4+$0x0], $0xffff  }
0x11c: {  	v9 =	vadd.s32 s31, v1;
	_ =	sdelay $0x3  }
0x11d: {  	[tilespmem:s29+$0xFFFFFFD0] =	vst v8  }
0x11e: {  	v8 =	vld.idx.msk [tilespmem:v9+s4+$0x0], $0xffff  }
0x11f: {  	v9 =	vadd.s32 s31, v0;
	_ =	sdelay $0x3  }
0x120: {  	[tilespmem:s29+$0xFFFFFFE0] =	vst v8  }
0x121: {  	s31 =	sadd.s32 $0xFFFFFF80, s30;
	v8 =	vld.idx.msk [tilespmem:v9+s4+$0x0], $0xffff  }
0x122: {  	v9 =	vadd.s32 s31, v6;
	_ =	sdelay $0x3  }
0x123: {  	[tilespmem:s29+$0xFFFFFFF0] =	vst v8  }
0x124: {  	v8 =	vld.idx.msk [tilespmem:v9+s4+$0x0], $0xffff  }
0x125: {  	v9 =	vadd.s32 s31, v7;
	_ =	sdelay $0x3  }
0x126: {  	[tilespmem:s29+$0x0] =	vst v8  }
0x127: {  	v8 =	vld.idx.msk [tilespmem:v9+s4+$0x0], $0xffff  }
0x128: {  	v9 =	vadd.s32 s31, v5;
	_ =	sdelay $0x3  }
0x129: {  	[tilespmem:s29+$0x10] =	vst v8  }
0x12a: {  	v8 =	vld.idx.msk [tilespmem:v9+s4+$0x0], $0xffff  }
0x12b: {  	v9 =	vadd.s32 s31, v4;
	_ =	sdelay $0x3  }
0x12c: {  	[tilespmem:s29+$0x20] =	vst v8  }
0x12d: {  	v8 =	vld.idx.msk [tilespmem:v9+s4+$0x0], $0xffff  }
0x12e: {  	v9 =	vadd.s32 s31, v3;
	_ =	sdelay $0x3  }
0x12f: {  	[tilespmem:s29+$0x30] =	vst v8  }
0x130: {  	v8 =	vld.idx.msk [tilespmem:v9+s4+$0x0], $0xffff  }
0x131: {  	v9 =	vadd.s32 s31, v2;
	_ =	sdelay $0x3  }
0x132: {  	[tilespmem:s29+$0x40] =	vst v8  }
0x133: {  	v8 =	vld.idx.msk [tilespmem:v9+s4+$0x0], $0xffff  }
0x134: {  	v9 =	vadd.s32 s31, v1;
	_ =	sdelay $0x3  }
0x135: {  	[tilespmem:s29+$0x50] =	vst v8  }
0x136: {  	v8 =	vld.idx.msk [tilespmem:v9+s4+$0x0], $0xffff  }
0x137: {  	v9 =	vadd.s32 s31, v0;
	_ =	sdelay $0x3  }
0x138: {  	[tilespmem:s29+$0x60] =	vst v8  }
0x139: {  	v8 =	vld.idx.msk [tilespmem:v9+s4+$0x0], $0xffff  }
0x13a: {  	v6 =	vadd.s32 s30, v6;
	_ =	sdelay $0x3  }
0x13b: {  	[tilespmem:s29+$0x70] =	vst v8  }
0x13c: {  	v6 =	vld.idx.msk [tilespmem:v6+s4+$0x0], $0xffff  }
0x13d: {  	v7 =	vadd.s32 s30, v7;
	_ =	sdelay $0x3  }
0x13e: {  	[tilespmem:s29+$0x80] =	vst v6  }
0x13f: {  	v6 =	vld.idx.msk [tilespmem:v7+s4+$0x0], $0xffff  }
0x140: {  	v5 =	vadd.s32 s30, v5;
	_ =	sdelay $0x3  }
0x141: {  	[tilespmem:s29+$0x90] =	vst v6  }
0x142: {  	v5 =	vld.idx.msk [tilespmem:v5+s4+$0x0], $0xffff  }
0x143: {  	v4 =	vadd.s32 s30, v4;
	_ =	sdelay $0x3  }
0x144: {  	[tilespmem:s29+$0xA0] =	vst v5  }
0x145: {  	v4 =	vld.idx.msk [tilespmem:v4+s4+$0x0], $0xffff  }
0x146: {  	v3 =	vadd.s32 s30, v3;
	_ =	sdelay $0x3  }
0x147: {  	[tilespmem:s29+$0xB0] =	vst v4  }
0x148: {  	v3 =	vld.idx.msk [tilespmem:v3+s4+$0x0], $0xffff  }
0x149: {  	v2 =	vadd.s32 s30, v2;
	_ =	sdelay $0x3  }
0x14a: {  	[tilespmem:s29+$0xC0] =	vst v3  }
0x14b: {  	v2 =	vld.idx.msk [tilespmem:v2+s4+$0x0], $0xffff  }
0x14c: {  	v1 =	vadd.s32 s30, v1;
	_ =	sdelay $0x3  }
0x14d: {  	[tilespmem:s29+$0xD0] =	vst v2  }
0x14e: {  	v1 =	vld.idx.msk [tilespmem:v1+s4+$0x0], $0xffff  }
0x14f: {  	v0 =	vadd.s32 s30, v0;
	_ =	sdelay $0x3  }
0x150: {  	[tilespmem:s29+$0xE0] =	vst v1  }
0x151: {  	v0 =	vld.idx.msk [tilespmem:v0+s4+$0x0], $0xffff;
	_ =	sdelay $0x4  }
0x152: {  	s31 =	sadd.s32 s2, s26;
	[tilespmem:s29+$0xF0] =	vst v0  }
0x153: {  	[hbm4b:s31+s16] =	stream.strided.scatter [tilespmem:s12], [sflag:$0x1], $0xB400, s17, s16, $0x38;
	[tilespmem:$0x19D00] =	vst v63  }
0x154: {  	s0 =	sadd.s32 $0xB40000, s31  }
0x155: {  	[hbm4b:s0+s4] =	stream.linear.scatter [tilespmem:s18], [sflag:$0x1], $0x300, $0x38;
	[tilespmem:$0x19D00] =	vst v63  }
0x156: {  	s0 =	simm.s32 @!p0 $0x2  }
0x157: {  	_ =	swait.ge @!p0 [sflag:s0], $0xB700  }
0x158: {  	[sflag:s0] =	ssyncset.done @!p0 $0x0  }
0x159: {  	[sflag:s0] =	ssyncadd.s32 @!p0 $0xFFFF4900  }
0x15a: {  	s31 =	sadd.s32 $0x20, s28;
	_ =	swait.ge [sflag:s19], $0x80  }
0x15b: {  	s0 =	sand.u32 $0x7FE0, s31;
	[sflag:s19] =	ssyncset.done $0x0  }
0x15c: {  	s0 =	sadd.s32 s1, s0;
	[sflag:s19] =	ssyncadd.s32 $0xFFFFFF80  }
0x15d: {  	[tilespmem:s14], [sflag:$0x3] =	stream.linear.gather [hbm4b:s0+s4], $0x80, $0x38;
	[tilespmem:$0x19D00] =	vst v63  }
0x15e: {  	v6 =	vld [tilespmem:$0x2C80];
	_ =	sdelay $0x3  }
0x15f: {  	s31 =	simm.s32 $0x0  }
0x160: {  	v0 =	vadd.s32 s31, v6  }
0x161: {  	v7 =	vld [tilespmem:$0x2C90];
	_ =	sdelay $0x2  }
0x162: {  	v5 =	vld [tilespmem:$0x2CA0]  }
0x163: {  	v8 =	vld.idx.msk [tilespmem:v0+s4+$0x0], $0xffff  }
0x164: {  	v4 =	vld [tilespmem:$0x2CB0];
	v9 =	vadd.s32 s31, v7  }
0x165: {  	v3 =	vld [tilespmem:$0x2CC0]  }
0x166: {  	v2 =	vld [tilespmem:$0x2CD0]  }
0x167: {  	s28 =	simm.s32 $0xE600;
	v1 =	vld [tilespmem:$0x2CE0]  }
0x168: {  	v0 =	vld [tilespmem:$0x2CF0];
	[tilespmem:s28+$0xFFFFFF00] =	vst v8  }
0x169: {  	v8 =	vld.idx.msk [tilespmem:v9+s4+$0x0], $0xffff  }
0x16a: {  	v9 =	vadd.s32 s31, v5;
	_ =	sdelay $0x3  }
0x16b: {  	[tilespmem:s28+$0xFFFFFF10] =	vst v8  }
0x16c: {  	v8 =	vld.idx.msk [tilespmem:v9+s4+$0x0], $0xffff  }
0x16d: {  	v9 =	vadd.s32 s31, v4;
	_ =	sdelay $0x3  }
0x16e: {  	[tilespmem:s28+$0xFFFFFF20] =	vst v8  }
0x16f: {  	v8 =	vld.idx.msk [tilespmem:v9+s4+$0x0], $0xffff  }
0x170: {  	v9 =	vadd.s32 s31, v3;
	_ =	sdelay $0x3  }
0x171: {  	[tilespmem:s28+$0xFFFFFF30] =	vst v8  }
0x172: {  	v8 =	vld.idx.msk [tilespmem:v9+s4+$0x0], $0xffff  }
0x173: {  	v9 =	vadd.s32 s31, v2;
	_ =	sdelay $0x3  }
0x174: {  	[tilespmem:s28+$0xFFFFFF40] =	vst v8  }
0x175: {  	v8 =	vld.idx.msk [tilespmem:v9+s4+$0x0], $0xffff  }
0x176: {  	v9 =	vadd.s32 s31, v1;
	_ =	sdelay $0x3  }
0x177: {  	[tilespmem:s28+$0xFFFFFF50] =	vst v8  }
0x178: {  	v8 =	vld.idx.msk [tilespmem:v9+s4+$0x0], $0xffff  }
0x179: {  	v9 =	vadd.s32 s31, v0;
	_ =	sdelay $0x3  }
0x17a: {  	[tilespmem:s28+$0xFFFFFF60] =	vst v8  }
0x17b: {  	s31 =	simm.s32 $0x80;
	v8 =	vld.idx.msk [tilespmem:v9+s4+$0x0], $0xffff  }
0x17c: {  	v9 =	vadd.s32 s31, v6;
	_ =	sdelay $0x3  }
0x17d: {  	[tilespmem:s28+$0xFFFFFF70] =	vst v8  }
0x17e: {  	v8 =	vld.idx.msk [tilespmem:v9+s4+$0x0], $0xffff  }
0x17f: {  	v9 =	vadd.s32 s31, v7;
	_ =	sdelay $0x3  }
0x180: {  	[tilespmem:s28+$0xFFFFFF80] =	vst v8  }
0x181: {  	v8 =	vld.idx.msk [tilespmem:v9+s4+$0x0], $0xffff  }
0x182: {  	v9 =	vadd.s32 s31, v5;
	_ =	sdelay $0x3  }
0x183: {  	[tilespmem:s28+$0xFFFFFF90] =	vst v8  }
0x184: {  	v8 =	vld.idx.msk [tilespmem:v9+s4+$0x0], $0xffff  }
0x185: {  	v9 =	vadd.s32 s31, v4;
	_ =	sdelay $0x3  }
0x186: {  	[tilespmem:s28+$0xFFFFFFA0] =	vst v8  }
0x187: {  	v8 =	vld.idx.msk [tilespmem:v9+s4+$0x0], $0xffff  }
0x188: {  	v9 =	vadd.s32 s31, v3;
	_ =	sdelay $0x3  }
0x189: {  	[tilespmem:s28+$0xFFFFFFB0] =	vst v8  }
0x18a: {  	v8 =	vld.idx.msk [tilespmem:v9+s4+$0x0], $0xffff  }
0x18b: {  	v9 =	vadd.s32 s31, v2;
	_ =	sdelay $0x3  }
0x18c: {  	[tilespmem:s28+$0xFFFFFFC0] =	vst v8  }
0x18d: {  	v8 =	vld.idx.msk [tilespmem:v9+s4+$0x0], $0xffff  }
0x18e: {  	v9 =	vadd.s32 s31, v1;
	_ =	sdelay $0x3  }
0x18f: {  	[tilespmem:s28+$0xFFFFFFD0] =	vst v8  }
0x190: {  	v8 =	vld.idx.msk [tilespmem:v9+s4+$0x0], $0xffff  }
0x191: {  	v9 =	vadd.s32 s31, v0;
	_ =	sdelay $0x3  }
0x192: {  	[tilespmem:s28+$0xFFFFFFE0] =	vst v8  }
0x193: {  	s31 =	simm.s32 $0x100;
	v8 =	vld.idx.msk [tilespmem:v9+s4+$0x0], $0xffff  }
0x194: {  	v9 =	vadd.s32 s31, v6;
	_ =	sdelay $0x3  }
0x195: {  	[tilespmem:s28+$0xFFFFFFF0] =	vst v8  }
0x196: {  	v8 =	vld.idx.msk [tilespmem:v9+s4+$0x0], $0xffff  }
0x197: {  	v9 =	vadd.s32 s31, v7;
	_ =	sdelay $0x3  }
0x198: {  	[tilespmem:s28+$0x0] =	vst v8  }
0x199: {  	v8 =	vld.idx.msk [tilespmem:v9+s4+$0x0], $0xffff  }
0x19a: {  	v9 =	vadd.s32 s31, v5;
	_ =	sdelay $0x3  }
0x19b: {  	[tilespmem:s28+$0x10] =	vst v8  }
0x19c: {  	v8 =	vld.idx.msk [tilespmem:v9+s4+$0x0], $0xffff  }
0x19d: {  	v9 =	vadd.s32 s31, v4;
	_ =	sdelay $0x3  }
0x19e: {  	[tilespmem:s28+$0x20] =	vst v8  }
0x19f: {  	v8 =	vld.idx.msk [tilespmem:v9+s4+$0x0], $0xffff  }
0x1a0: {  	v9 =	vadd.s32 s31, v3;
	_ =	sdelay $0x3  }
0x1a1: {  	[tilespmem:s28+$0x30] =	vst v8  }
0x1a2: {  	v8 =	vld.idx.msk [tilespmem:v9+s4+$0x0], $0xffff  }
0x1a3: {  	v9 =	vadd.s32 s31, v2;
	_ =	sdelay $0x3  }
0x1a4: {  	[tilespmem:s28+$0x40] =	vst v8  }
0x1a5: {  	v8 =	vld.idx.msk [tilespmem:v9+s4+$0x0], $0xffff  }
0x1a6: {  	v9 =	vadd.s32 s31, v1;
	_ =	sdelay $0x3  }
0x1a7: {  	[tilespmem:s28+$0x50] =	vst v8  }
0x1a8: {  	v8 =	vld.idx.msk [tilespmem:v9+s4+$0x0], $0xffff  }
0x1a9: {  	v9 =	vadd.s32 s31, v0;
	_ =	sdelay $0x3  }
0x1aa: {  	[tilespmem:s28+$0x60] =	vst v8  }
0x1ab: {  	s31 =	simm.s32 $0x180;
	v8 =	vld.idx.msk [tilespmem:v9+s4+$0x0], $0xffff  }
0x1ac: {  	v9 =	vadd.s32 s31, v6;
	_ =	sdelay $0x3  }
0x1ad: {  	[tilespmem:s28+$0x70] =	vst v8  }
0x1ae: {  	v8 =	vld.idx.msk [tilespmem:v9+s4+$0x0], $0xffff  }
0x1af: {  	v9 =	vadd.s32 s31, v7;
	_ =	sdelay $0x3  }
0x1b0: {  	[tilespmem:s28+$0x80] =	vst v8  }
0x1b1: {  	v8 =	vld.idx.msk [tilespmem:v9+s4+$0x0], $0xffff  }
0x1b2: {  	v9 =	vadd.s32 s31, v5;
	_ =	sdelay $0x3  }
0x1b3: {  	[tilespmem:s28+$0x90] =	vst v8  }
0x1b4: {  	v8 =	vld.idx.msk [tilespmem:v9+s4+$0x0], $0xffff  }
0x1b5: {  	v9 =	vadd.s32 s31, v4;
	_ =	sdelay $0x3  }
0x1b6: {  	[tilespmem:s28+$0xA0] =	vst v8  }
0x1b7: {  	v8 =	vld.idx.msk [tilespmem:v9+s4+$0x0], $0xffff  }
0x1b8: {  	v9 =	vadd.s32 s31, v3;
	_ =	sdelay $0x3  }
0x1b9: {  	[tilespmem:s28+$0xB0] =	vst v8  }
0x1ba: {  	v8 =	vld.idx.msk [tilespmem:v9+s4+$0x0], $0xffff  }
0x1bb: {  	v9 =	vadd.s32 s31, v2;
	_ =	sdelay $0x3  }
0x1bc: {  	[tilespmem:s28+$0xC0] =	vst v8  }
0x1bd: {  	v8 =	vld.idx.msk [tilespmem:v9+s4+$0x0], $0xffff  }
0x1be: {  	v9 =	vadd.s32 s31, v1;
	_ =	sdelay $0x3  }
0x1bf: {  	[tilespmem:s28+$0xD0] =	vst v8  }
0x1c0: {  	v8 =	vld.idx.msk [tilespmem:v9+s4+$0x0], $0xffff  }
0x1c1: {  	v9 =	vadd.s32 s31, v0;
	_ =	sdelay $0x3  }
0x1c2: {  	[tilespmem:s28+$0xE0] =	vst v8  }
0x1c3: {  	s26 =	sor.u32 $0x80, s26;
	s30 =	simm.s32 $0xB;
	s29 =	simm.s32 $0x380;
	v8 =	vld.idx.msk [tilespmem:v9+s4+$0x0], $0xffff  }
.LBB2_5:
0x1c4: {  	p0 =	sne.s32 s30, $0x57;
	s0 =	sadd.s32 $0xFFFFFE80, s29  }
0x1c5: {  	v9 =	vadd.s32 s0, v6;
	_ =	sdelay $0x3  }
0x1c6: {  	[tilespmem:s28+$0xF0] =	vst v8  }
0x1c7: {  	v8 =	vld.idx.msk [tilespmem:v9+s4+$0x0], $0xffff;
	_ =	sdelay $0x1  }
0x1c8: {  	v9 =	vadd.s32 s0, v7;
	_ =	sdelay $0x2  }
0x1c9: {  	s28 =	sadd.s32 $0x200, s28  }
0x1ca: {  	[tilespmem:s28+$0xFFFFFF00] =	vst v8  }
0x1cb: {  	v8 =	vld.idx.msk [tilespmem:v9+s4+$0x0], $0xffff;
	_ =	sdelay $0x1  }
0x1cc: {  	v9 =	vadd.s32 s0, v5;
	_ =	sdelay $0x3  }
0x1cd: {  	[tilespmem:s28+$0xFFFFFF10] =	vst v8  }
0x1ce: {  	v8 =	vld.idx.msk [tilespmem:v9+s4+$0x0], $0xffff;
	_ =	sdelay $0x1  }
0x1cf: {  	v9 =	vadd.s32 s0, v4;
	_ =	sdelay $0x3  }
0x1d0: {  	[tilespmem:s28+$0xFFFFFF20] =	vst v8  }
0x1d1: {  	v8 =	vld.idx.msk [tilespmem:v9+s4+$0x0], $0xffff;
	_ =	sdelay $0x1  }
0x1d2: {  	v9 =	vadd.s32 s0, v3;
	_ =	sdelay $0x3  }
0x1d3: {  	[tilespmem:s28+$0xFFFFFF30] =	vst v8  }
0x1d4: {  	v8 =	vld.idx.msk [tilespmem:v9+s4+$0x0], $0xffff;
	_ =	sdelay $0x1  }
0x1d5: {  	v9 =	vadd.s32 s0, v2;
	_ =	sdelay $0x3  }
0x1d6: {  	[tilespmem:s28+$0xFFFFFF40] =	vst v8  }
0x1d7: {  	v8 =	vld.idx.msk [tilespmem:v9+s4+$0x0], $0xffff;
	_ =	sdelay $0x1  }
0x1d8: {  	v9 =	vadd.s32 s0, v1;
	_ =	sdelay $0x3  }
0x1d9: {  	[tilespmem:s28+$0xFFFFFF50] =	vst v8  }
0x1da: {  	v8 =	vld.idx.msk [tilespmem:v9+s4+$0x0], $0xffff;
	_ =	sdelay $0x1  }
0x1db: {  	v9 =	vadd.s32 s0, v0;
	_ =	sdelay $0x3  }
0x1dc: {  	[tilespmem:s28+$0xFFFFFF60] =	vst v8  }
0x1dd: {  	v8 =	vld.idx.msk [tilespmem:v9+s4+$0x0], $0xffff  }
0x1de: {  	s0 =	sadd.s32 $0xFFFFFF00, s29  }
0x1df: {  	v9 =	vadd.s32 s0, v6;
	_ =	sdelay $0x3  }
0x1e0: {  	[tilespmem:s28+$0xFFFFFF70] =	vst v8  }
0x1e1: {  	v8 =	vld.idx.msk [tilespmem:v9+s4+$0x0], $0xffff;
	_ =	sdelay $0x1  }
0x1e2: {  	v9 =	vadd.s32 s0, v7;
	_ =	sdelay $0x3  }
0x1e3: {  	[tilespmem:s28+$0xFFFFFF80] =	vst v8  }
0x1e4: {  	v8 =	vld.idx.msk [tilespmem:v9+s4+$0x0], $0xffff;
	_ =	sdelay $0x1  }
0x1e5: {  	v9 =	vadd.s32 s0, v5;
	_ =	sdelay $0x3  }
0x1e6: {  	[tilespmem:s28+$0xFFFFFF90] =	vst v8  }
0x1e7: {  	v8 =	vld.idx.msk [tilespmem:v9+s4+$0x0], $0xffff;
	_ =	sdelay $0x1  }
0x1e8: {  	v9 =	vadd.s32 s0, v4;
	_ =	sdelay $0x3  }
0x1e9: {  	[tilespmem:s28+$0xFFFFFFA0] =	vst v8  }
0x1ea: {  	v8 =	vld.idx.msk [tilespmem:v9+s4+$0x0], $0xffff;
	_ =	sdelay $0x1  }
0x1eb: {  	v9 =	vadd.s32 s0, v3;
	_ =	sdelay $0x3  }
0x1ec: {  	[tilespmem:s28+$0xFFFFFFB0] =	vst v8  }
0x1ed: {  	v8 =	vld.idx.msk [tilespmem:v9+s4+$0x0], $0xffff;
	_ =	sdelay $0x1  }
0x1ee: {  	v9 =	vadd.s32 s0, v2;
	_ =	sdelay $0x3  }
0x1ef: {  	[tilespmem:s28+$0xFFFFFFC0] =	vst v8  }
0x1f0: {  	v8 =	vld.idx.msk [tilespmem:v9+s4+$0x0], $0xffff;
	_ =	sdelay $0x1  }
0x1f1: {  	v9 =	vadd.s32 s0, v1;
	_ =	sdelay $0x3  }
0x1f2: {  	[tilespmem:s28+$0xFFFFFFD0] =	vst v8  }
0x1f3: {  	v8 =	vld.idx.msk [tilespmem:v9+s4+$0x0], $0xffff;
	_ =	sdelay $0x1  }
0x1f4: {  	v9 =	vadd.s32 s0, v0;
	_ =	sdelay $0x3  }
0x1f5: {  	[tilespmem:s28+$0xFFFFFFE0] =	vst v8  }
0x1f6: {  	v8 =	vld.idx.msk [tilespmem:v9+s4+$0x0], $0xffff  }
0x1f7: {  	s0 =	sadd.s32 $0xFFFFFF80, s29  }
0x1f8: {  	v9 =	vadd.s32 s0, v6;
	_ =	sdelay $0x3  }
0x1f9: {  	[tilespmem:s28+$0xFFFFFFF0] =	vst v8  }
0x1fa: {  	v8 =	vld.idx.msk [tilespmem:v9+s4+$0x0], $0xffff;
	_ =	sdelay $0x1  }
0x1fb: {  	v9 =	vadd.s32 s0, v7;
	_ =	sdelay $0x3  }
0x1fc: {  	[tilespmem:s28+$0x0] =	vst v8  }
0x1fd: {  	v8 =	vld.idx.msk [tilespmem:v9+s4+$0x0], $0xffff;
	_ =	sdelay $0x1  }
0x1fe: {  	v9 =	vadd.s32 s0, v5;
	_ =	sdelay $0x3  }
0x1ff: {  	[tilespmem:s28+$0x10] =	vst v8  }
0x200: {  	v8 =	vld.idx.msk [tilespmem:v9+s4+$0x0], $0xffff;
	_ =	sdelay $0x1  }
0x201: {  	v9 =	vadd.s32 s0, v4;
	_ =	sdelay $0x3  }
0x202: {  	[tilespmem:s28+$0x20] =	vst v8  }
0x203: {  	v8 =	vld.idx.msk [tilespmem:v9+s4+$0x0], $0xffff;
	_ =	sdelay $0x1  }
0x204: {  	v9 =	vadd.s32 s0, v3;
	_ =	sdelay $0x3  }
0x205: {  	[tilespmem:s28+$0x30] =	vst v8  }
0x206: {  	v8 =	vld.idx.msk [tilespmem:v9+s4+$0x0], $0xffff;
	_ =	sdelay $0x1  }
0x207: {  	v9 =	vadd.s32 s0, v2;
	_ =	sdelay $0x3  }
0x208: {  	[tilespmem:s28+$0x40] =	vst v8  }
0x209: {  	v8 =	vld.idx.msk [tilespmem:v9+s4+$0x0], $0xffff;
	_ =	sdelay $0x1  }
0x20a: {  	v9 =	vadd.s32 s0, v1;
	_ =	sdelay $0x3  }
0x20b: {  	[tilespmem:s28+$0x50] =	vst v8  }
0x20c: {  	v8 =	vld.idx.msk [tilespmem:v9+s4+$0x0], $0xffff;
	_ =	sdelay $0x1  }
0x20d: {  	v9 =	vadd.s32 s0, v0;
	_ =	sdelay $0x3  }
0x20e: {  	[tilespmem:s28+$0x60] =	vst v8  }
0x20f: {  	v8 =	vld.idx.msk [tilespmem:v9+s4+$0x0], $0xffff;
	_ =	sdelay $0x1  }
0x210: {  	v9 =	vadd.s32 s29, v6;
	_ =	sdelay $0x3  }
0x211: {  	[tilespmem:s28+$0x70] =	vst v8  }
0x212: {  	v8 =	vld.idx.msk [tilespmem:v9+s4+$0x0], $0xffff;
	_ =	sdelay $0x1  }
0x213: {  	v9 =	vadd.s32 s29, v7;
	_ =	sdelay $0x3  }
0x214: {  	[tilespmem:s28+$0x80] =	vst v8  }
0x215: {  	v8 =	vld.idx.msk [tilespmem:v9+s4+$0x0], $0xffff;
	_ =	sdelay $0x1  }
0x216: {  	v9 =	vadd.s32 s29, v5;
	_ =	sdelay $0x3  }
0x217: {  	[tilespmem:s28+$0x90] =	vst v8  }
0x218: {  	v8 =	vld.idx.msk [tilespmem:v9+s4+$0x0], $0xffff;
	_ =	sdelay $0x1  }
0x219: {  	v9 =	vadd.s32 s29, v4;
	_ =	sdelay $0x3  }
0x21a: {  	[tilespmem:s28+$0xA0] =	vst v8  }
0x21b: {  	v8 =	vld.idx.msk [tilespmem:v9+s4+$0x0], $0xffff;
	_ =	sdelay $0x1  }
0x21c: {  	v9 =	vadd.s32 s29, v3;
	_ =	sdelay $0x3  }
0x21d: {  	[tilespmem:s28+$0xB0] =	vst v8  }
0x21e: {  	v8 =	vld.idx.msk [tilespmem:v9+s4+$0x0], $0xffff;
	_ =	sdelay $0x1  }
0x21f: {  	v9 =	vadd.s32 s29, v2;
	_ =	sdelay $0x3  }
0x220: {  	[tilespmem:s28+$0xC0] =	vst v8  }
0x221: {  	v8 =	vld.idx.msk [tilespmem:v9+s4+$0x0], $0xffff;
	_ =	sdelay $0x1  }
0x222: {  	v9 =	vadd.s32 s29, v1;
	_ =	sdelay $0x3  }
0x223: {  	[tilespmem:s28+$0xD0] =	vst v8  }
0x224: {  	v8 =	vld.idx.msk [tilespmem:v9+s4+$0x0], $0xffff;
	_ =	sdelay $0x1  }
0x225: {  	v9 =	vadd.s32 s29, v0  }
.Ltmp1:
0x226: {  	(pc) =	sbr.rel @p0 .LBB2_5-.Ltmp1, $3  }
0x227: {  	_ =	sdelay $0x1  }
0x228: {  	[tilespmem:s28+$0xE0] =	vst v8  }
0x229: {  	s29 =	sshll.u32 s30, $0x7;
	s30 =	sadd.s32 $0x4, s30;
	v8 =	vld.idx.msk [tilespmem:v9+s4+$0x0], $0xffff  }
0x22a: {  	s0 =	sadd.s32 $0xFFFFFE80, s29  }
0x22b: {  	v9 =	vadd.s32 s0, v6;
	_ =	sdelay $0x3  }
0x22c: {  	[tilespmem:s28+$0xF0] =	vst v8  }
0x22d: {  	v8 =	vld.idx.msk [tilespmem:v9+s4+$0x0], $0xffff  }
0x22e: {  	v33 =	vadd.s32 s0, v7;
	_ =	sdelay $0x2  }
0x22f: {  	s28 =	sadd.s32 $0x200, s28  }
0x230: {  	[tilespmem:s28+$0xFFFFFF00] =	vst v8  }
0x231: {  	v8 =	vld.idx.msk [tilespmem:v33+s4+$0x0], $0xffff  }
0x232: {  	v34 =	vadd.s32 s0, v5;
	_ =	sdelay $0x3  }
0x233: {  	[tilespmem:s28+$0xFFFFFF10] =	vst v8  }
0x234: {  	v8 =	vld.idx.msk [tilespmem:v34+s4+$0x0], $0xffff  }
0x235: {  	v35 =	vadd.s32 s0, v4;
	_ =	sdelay $0x3  }
0x236: {  	[tilespmem:s28+$0xFFFFFF20] =	vst v8  }
0x237: {  	v8 =	vld.idx.msk [tilespmem:v35+s4+$0x0], $0xffff  }
0x238: {  	v36 =	vadd.s32 s0, v3;
	_ =	sdelay $0x3  }
0x239: {  	[tilespmem:s28+$0xFFFFFF30] =	vst v8  }
0x23a: {  	v8 =	vld.idx.msk [tilespmem:v36+s4+$0x0], $0xffff  }
0x23b: {  	v37 =	vadd.s32 s0, v2;
	_ =	sdelay $0x3  }
0x23c: {  	[tilespmem:s28+$0xFFFFFF40] =	vst v8  }
0x23d: {  	v8 =	vld.idx.msk [tilespmem:v37+s4+$0x0], $0xffff  }
0x23e: {  	v38 =	vadd.s32 s0, v1;
	_ =	sdelay $0x3  }
0x23f: {  	[tilespmem:s28+$0xFFFFFF50] =	vst v8  }
0x240: {  	v8 =	vld.idx.msk [tilespmem:v38+s4+$0x0], $0xffff  }
0x241: {  	v39 =	vadd.s32 s0, v0;
	_ =	sdelay $0x3  }
0x242: {  	[tilespmem:s28+$0xFFFFFF60] =	vst v8  }
0x243: {  	s31 =	sadd.s32 $0xFFFFFF00, s29;
	v8 =	vld.idx.msk [tilespmem:v39+s4+$0x0], $0xffff  }
0x244: {  	v40 =	vadd.s32 s31, v6;
	_ =	sdelay $0x3  }
0x245: {  	[tilespmem:s28+$0xFFFFFF70] =	vst v8  }
0x246: {  	v8 =	vld.idx.msk [tilespmem:v40+s4+$0x0], $0xffff  }
0x247: {  	v41 =	vadd.s32 s31, v7;
	_ =	sdelay $0x3  }
0x248: {  	[tilespmem:s28+$0xFFFFFF80] =	vst v8  }
0x249: {  	v8 =	vld.idx.msk [tilespmem:v41+s4+$0x0], $0xffff  }
0x24a: {  	v42 =	vadd.s32 s31, v5;
	_ =	sdelay $0x3  }
0x24b: {  	[tilespmem:s28+$0xFFFFFF90] =	vst v8  }
0x24c: {  	v8 =	vld.idx.msk [tilespmem:v42+s4+$0x0], $0xffff  }
0x24d: {  	v43 =	vadd.s32 s31, v4;
	_ =	sdelay $0x3  }
0x24e: {  	[tilespmem:s28+$0xFFFFFFA0] =	vst v8  }
0x24f: {  	v8 =	vld.idx.msk [tilespmem:v43+s4+$0x0], $0xffff  }
0x250: {  	v44 =	vadd.s32 s31, v3;
	_ =	sdelay $0x3  }
0x251: {  	[tilespmem:s28+$0xFFFFFFB0] =	vst v8  }
0x252: {  	v8 =	vld.idx.msk [tilespmem:v44+s4+$0x0], $0xffff  }
0x253: {  	v45 =	vadd.s32 s31, v2;
	_ =	sdelay $0x3  }
0x254: {  	[tilespmem:s28+$0xFFFFFFC0] =	vst v8  }
0x255: {  	v8 =	vld.idx.msk [tilespmem:v45+s4+$0x0], $0xffff  }
0x256: {  	v46 =	vadd.s32 s31, v1;
	_ =	sdelay $0x3  }
0x257: {  	[tilespmem:s28+$0xFFFFFFD0] =	vst v8  }
0x258: {  	v8 =	vld.idx.msk [tilespmem:v46+s4+$0x0], $0xffff  }
0x259: {  	v47 =	vadd.s32 s31, v0;
	_ =	sdelay $0x3  }
0x25a: {  	[tilespmem:s28+$0xFFFFFFE0] =	vst v8  }
0x25b: {  	s30 =	sadd.s32 $0xFFFFFF80, s29;
	v8 =	vld.idx.msk [tilespmem:v47+s4+$0x0], $0xffff  }
0x25c: {  	v48 =	vadd.s32 s30, v6;
	_ =	sdelay $0x3  }
0x25d: {  	[tilespmem:s28+$0xFFFFFFF0] =	vst v8  }
0x25e: {  	v8 =	vld.idx.msk [tilespmem:v48+s4+$0x0], $0xffff  }
0x25f: {  	v49 =	vadd.s32 s30, v7;
	_ =	sdelay $0x3  }
0x260: {  	[tilespmem:s28+$0x0] =	vst v8  }
0x261: {  	v8 =	vld.idx.msk [tilespmem:v49+s4+$0x0], $0xffff  }
0x262: {  	v50 =	vadd.s32 s30, v5;
	_ =	sdelay $0x3  }
0x263: {  	[tilespmem:s28+$0x10] =	vst v8  }
0x264: {  	v8 =	vld.idx.msk [tilespmem:v50+s4+$0x0], $0xffff  }
0x265: {  	v51 =	vadd.s32 s30, v4;
	_ =	sdelay $0x3  }
0x266: {  	[tilespmem:s28+$0x20] =	vst v8  }
0x267: {  	v8 =	vld.idx.msk [tilespmem:v51+s4+$0x0], $0xffff  }
0x268: {  	v52 =	vadd.s32 s30, v3;
	_ =	sdelay $0x3  }
0x269: {  	[tilespmem:s28+$0x30] =	vst v8  }
0x26a: {  	v8 =	vld.idx.msk [tilespmem:v52+s4+$0x0], $0xffff  }
0x26b: {  	v53 =	vadd.s32 s30, v2;
	_ =	sdelay $0x3  }
0x26c: {  	[tilespmem:s28+$0x40] =	vst v8  }
0x26d: {  	v8 =	vld.idx.msk [tilespmem:v53+s4+$0x0], $0xffff  }
0x26e: {  	v54 =	vadd.s32 s30, v1;
	_ =	sdelay $0x3  }
0x26f: {  	[tilespmem:s28+$0x50] =	vst v8  }
0x270: {  	v8 =	vld.idx.msk [tilespmem:v54+s4+$0x0], $0xffff  }
0x271: {  	v55 =	vadd.s32 s30, v0;
	_ =	sdelay $0x3  }
0x272: {  	[tilespmem:s28+$0x60] =	vst v8  }
0x273: {  	v8 =	vld.idx.msk [tilespmem:v55+s4+$0x0], $0xffff  }
0x274: {  	v56 =	vadd.s32 s29, v6;
	_ =	sdelay $0x3  }
0x275: {  	[tilespmem:s28+$0x70] =	vst v8  }
0x276: {  	v6 =	vld.idx.msk [tilespmem:v56+s4+$0x0], $0xffff  }
0x277: {  	v57 =	vadd.s32 s29, v7;
	_ =	sdelay $0x3  }
0x278: {  	[tilespmem:s28+$0x80] =	vst v6  }
0x279: {  	v6 =	vld.idx.msk [tilespmem:v57+s4+$0x0], $0xffff  }
0x27a: {  	v58 =	vadd.s32 s29, v5;
	_ =	sdelay $0x3  }
0x27b: {  	[tilespmem:s28+$0x90] =	vst v6  }
0x27c: {  	v5 =	vld.idx.msk [tilespmem:v58+s4+$0x0], $0xffff  }
0x27d: {  	v59 =	vadd.s32 s29, v4;
	_ =	sdelay $0x3  }
0x27e: {  	[tilespmem:s28+$0xA0] =	vst v5  }
0x27f: {  	v4 =	vld.idx.msk [tilespmem:v59+s4+$0x0], $0xffff  }
0x280: {  	v60 =	vadd.s32 s29, v3;
	_ =	sdelay $0x3  }
0x281: {  	[tilespmem:s28+$0xB0] =	vst v4  }
0x282: {  	v3 =	vld.idx.msk [tilespmem:v60+s4+$0x0], $0xffff  }
0x283: {  	v61 =	vadd.s32 s29, v2;
	_ =	sdelay $0x3  }
0x284: {  	[tilespmem:s28+$0xC0] =	vst v3  }
0x285: {  	v2 =	vld.idx.msk [tilespmem:v61+s4+$0x0], $0xffff  }
0x286: {  	v62 =	vadd.s32 s29, v1;
	_ =	sdelay $0x3  }
0x287: {  	[tilespmem:s28+$0xD0] =	vst v2  }
0x288: {  	v1 =	vld.idx.msk [tilespmem:v62+s4+$0x0], $0xffff  }
0x289: {  	v63 =	vadd.s32 s29, v0;
	_ =	sdelay $0x3  }
0x28a: {  	[tilespmem:s28+$0xE0] =	vst v1  }
0x28b: {  	v0 =	vld.idx.msk [tilespmem:v63+s4+$0x0], $0xffff;
	_ =	sdelay $0x1  }
0x28c: {  	s25 =	sadd.s32 $0x1, s25  }
0x28d: {  	p0 =	sne.s32 s25, $0x20  }
.Ltmp2:
0x28e: {  	_ = 	snop;
	(pc) =	sbr.rel @p0 .LBB2_2-.Ltmp2, $4  }
0x28f: {  	s31 =	sadd.s32 s2, s26;
	[tilespmem:s28+$0xF0] =	vst v0  }
0x290: {  	[hbm4b:s31+s16] =	stream.strided.scatter [tilespmem:s13], [sflag:$0x2], $0xB400, s17, s16, $0x38;
	[tilespmem:$0x19D00] =	vst v63  }
0x291: {  	s0 =	sadd.s32 $0xB40000, s31  }
0x292: {  	[hbm4b:s0+s4] =	stream.linear.scatter [tilespmem:s20], [sflag:$0x2], $0x300, $0x38;
	[tilespmem:$0x19D00] =	vst v63  }
0x293: {  	_ =	swait.ge [sflag:s21], $0xB700  }
0x294: {  	[sflag:s21] =	ssyncset.done $0x0  }
0x295: {  	s24 =	sadd.s32 $0x1, s24;
	[sflag:s21] =	ssyncadd.s32 $0xFFFF4900  }
0x296: {  	p0 =	sne.s32 s24, s10;
	_ =	swait.ge [sflag:s22], $0xB700  }
.Ltmp3:
0x297: {  	[sflag:s22] =	ssyncset.done $0x0;
	(pc) =	sbr.rel @p0 .LBB2_1-.Ltmp3, $4  }
0x298: {  	[sflag:s22] =	ssyncadd.s32 $0xFFFF4900  }
0x299: {  	_ =	swait.ge [sflag:s23], $0x80  }
0x29a: {  	[sflag:s23] =	ssyncset.done $0x0  }
0x29b: {  	[sflag:s23] =	ssyncadd.s32 $0xFFFFFF80  }
0x29c: {  	_ =	sfence.sel $0x180000  }
0x29d: {  	[bflag:$0x0] =	sbarrier.arrive $0xFFFF  }
0x29e: {  	_ =	strace $0x90000047  }
0x29f: {  	[bflag:$0x2] =	sbarrier.arrive $0xFFFF  }
0x2a0: {  	p0 =	sne.s32 s3, $0x0;
	s0 =	rddreg [dreg:$0x3]  }
0x2a1: {  	s0 =	sadd.s32 @!p0 $0x100000, s0  }
0x2a2: {  	[sflag:s0] =	ssyncadd.tile.s32 @!p0 $0x1;
	_ =	shalt  }
.Lfunc_end2:
_tile_overlayer_lowered:
.L_overlay_start_2:
0x2a3: {  	(tag) =	ssettag $0x2  }
0x2a4: {  	s0 =	rddreg [dreg:$0x0];
	s2 =	stileid.u32  }
0x2a5: {  	s1 =	rddreg [dreg:$0x1];
	p0 =	sne.s32 s2, $0x0  }
0x2a6: {  	s3 =	rddreg [dreg:$0x2];
	[bflag:$0x3] =	sbarrier.arrive $0xFFFF;
	s2 =	simm.s32 @!p0 $0x1C05  }
0x2a7: {  	[timem:s3], [sflag:s2] =	dma.local @!p0 [hbm:s0], s1  }
0x2a8: {  	s0 =	simm.s32 @!p0 $0x5  }
0x2a9: {  	_ =	swait.ge @!p0 [sflag:s0], s1  }
0x2aa: {  	s1 =	ssub.s32 @!p0 $0x0, s1;
	[sflag:s0] =	ssyncset.done @!p0 $0x0  }
0x2ab: {  	[sflag:s0] =	ssyncadd.s32 @!p0 s1  }
0x2ac: {  	[bflag:$0x3] =	sbarrier.arrive $0xFFFF  }
0x2ad: {  	_ =	shalt  }

</sc_bundles>
